<compile_context>
chip_gen: v7x
topology: tpu7x:2x2x1
jax: 0.10.2.dev20260603
libtpu: 0.0.44.dev20260713+nightly
codegen_flags: <defaults>
</compile_context>

<pallas_src>
import functools

import jax
import jax.numpy as jnp
from jax.experimental import pallas as pl


def _body(x_ref, w_ref, b_ref, o_ref, *, E, D):
    x = x_ref[...].astype(jnp.bfloat16)
    for e in range(E):
        xe = x[:, e * D:(e + 1) * D]
        we = w_ref[e]
        y = jax.lax.dot_general(
            xe, we, (((1,), (1,)), ((), ())),
            preferred_element_type=jnp.float32,
        )
        o_ref[:, e * D:(e + 1) * D] = y + b_ref[e]


def kernel(inputs, W, b):
    N, E, D = inputs.shape
    BN = 256
    x2 = inputs.reshape(N, E * D)
    w_bf = W.astype(jnp.bfloat16)

    out = pl.pallas_call(
        functools.partial(_body, E=E, D=D),
        grid=(N // BN,),
        in_specs=[
            pl.BlockSpec((BN, E * D), lambda i: (i, 0)),
            pl.BlockSpec((E, D, D), lambda i: (0, 0, 0)),
            pl.BlockSpec((E, D), lambda i: (0, 0)),
        ],
        out_specs=pl.BlockSpec((BN, E * D), lambda i: (i, 0)),
        out_shape=jax.ShapeDtypeStruct((N, E * D), jnp.float32),
    )(x2, w_bf, b)
    return out.reshape(N, E, D)

# --- scband reference (transcript-rebuilt; emitter-appended) ---
"""Pipeline reference for scband-seq-experts-81990925680846 (READ-ONLY COPY).

The authoritative reference and input builder live on the scoring server;
editing this copy changes nothing except your own understanding.
"""

import jax, jax.numpy as jnp
import numpy as np

N, E, D = 4096, 64, 128

def setup_inputs(seed=0) -> dict:
    key = jax.random.key(seed)
    k1, k2, k3 = jax.random.split(key, 3)
    inputs = jax.random.normal(k1, (N, E, D), dtype=jnp.float32)
    # Per-expert Linear(D, D) weights/biases. Note: the torch module deepcopies a single
    # expert so initial values coincide, but parameters are independent per expert; we
    # materialize them as stacked per-expert tensors W[e] (shape [out,in]) and b[e].
    W = (jax.random.normal(k2, (E, D, D), dtype=jnp.float32) / np.sqrt(D)).astype(jnp.float32)
    b = (jax.random.normal(k3, (E, D), dtype=jnp.float32) * 0.01).astype(jnp.float32)
    return {"inputs": inputs, "W": W, "b": b}

def reference(inputs, W, b):
    # SeqExperts.forward with expert_input_nums=None:
    #   chunks = split(inputs, 1, dim=1)  -> E chunks of shape [N, 1, D]
    #   out_e  = Linear_e(chunk_e) = chunk_e @ W[e].T + b[e]
    #   output = concat(out_e, dim=1)     -> [N, E, D]
    # Batched faithfully as a single einsum over the expert axis.
    out = jnp.einsum('ned,efd->nef', inputs, W) + b[None, :, :]
    return out

if __name__ == "__main__":
    import jax
    _d = setup_inputs()
    print(jax.jit(kernel)(*tuple(_d.values())))

</pallas_src>

<mosaic_0001>
module attributes {stable_mosaic.version = 14 : i64} {
  func.func @_body(%arg0: i32, %arg1: memref<256x8192xf32, #tpu.memory_space<vmem>>, %arg2: memref<64x128x128xbf16, #tpu.memory_space<vmem>>, %arg3: memref<64x128xf32, #tpu.memory_space<vmem>>, %arg4: memref<256x8192xf32, #tpu.memory_space<vmem>>) attributes {dimension_semantics = [#tpu.dimension_semantics<arbitrary>], iteration_bounds = array<i64: 16>, scalar_prefetch = 0 : i64, scratch_operands = 0 : i64, tpu.core_type = #tpu.core_type<tc>, window_params = [{transform_indices = @transform_0, window_bounds = array<i64: 256, 8192>}, {pipeline_mode = #tpu.pipeline_mode<synchronous>, transform_indices = @transform_1, window_bounds = array<i64: 64, 128, 128>}, {pipeline_mode = #tpu.pipeline_mode<synchronous>, transform_indices = @transform_2, window_bounds = array<i64: 64, 128>}, {transform_indices = @transform_3, window_bounds = array<i64: 256, 8192>}]} {
    %get3A = arith.constant 0 : index
    %get3A_0 = arith.constant 0 : index
    %get3A_1 = vector.load %arg1[%get3A, %get3A_0] : memref<256x8192xf32, #tpu.memory_space<vmem>>, vector<256x8192xf32>
    %convert_element_type3A = arith.truncf %get3A_1 : vector<256x8192xf32> to vector<256x8192xbf16>
    %slice3A = vector.extract_strided_slice %convert_element_type3A {offsets = [0, 0], sizes = [256, 128], strides = [1, 1]} : vector<256x8192xbf16> to vector<256x128xbf16>
    %get3A_2 = arith.constant 0 : index
    %get3A_3 = arith.constant 0 : index
    %get3A_4 = arith.constant 0 : index
    %get3A_5 = vector.load %arg2[%get3A_2, %get3A_3, %get3A_4] : memref<64x128x128xbf16, #tpu.memory_space<vmem>>, vector<1x128x128xbf16>
    %get3A_6 = vector.shape_cast %get3A_5 : vector<1x128x128xbf16> to vector<128x128xbf16>
    %dot_general3A = arith.constant dense<0.000000e+00> : vector<256x128xf32>
    %dot_general3A_7 = tpu.matmul %slice3A, %get3A_6, %dot_general3A {dimension_numbers = #tpu.dot_dimension_numbers<[1], [1], [0], [0], [0, 0, 1, 0], [], []>, transpose_lhs_hint = false} : vector<256x128xbf16>, vector<128x128xbf16>, vector<256x128xf32> -> vector<256x128xf32>
    %get3A_8 = arith.constant 0 : index
    %get3A_9 = arith.constant 0 : index
    %get3A_10 = vector.load %arg3[%get3A_8, %get3A_9] : memref<64x128xf32, #tpu.memory_space<vmem>>, vector<1x128xf32>
    %get3A_11 = vector.shape_cast %get3A_10 : vector<1x128xf32> to vector<128xf32>
    %broadcast_in_dim3A = vector.shape_cast %get3A_11 : vector<128xf32> to vector<1x128xf32>
    %add3A = vector.broadcast %broadcast_in_dim3A : vector<1x128xf32> to vector<256x128xf32>
    %add3A_12 = arith.addf %dot_general3A_7, %add3A : vector<256x128xf32>
    %swap3A = arith.constant 0 : index
    %swap3A_13 = arith.constant 0 : index
    %swap3A_14 = vector.load %arg4[%swap3A, %swap3A_13] : memref<256x8192xf32, #tpu.memory_space<vmem>>, vector<256x128xf32>
    tpu.vector_store %arg4[%swap3A, %swap3A_13], %add3A_12 {strides = array<i32>} : memref<256x8192xf32, #tpu.memory_space<vmem>>, vector<256x128xf32>,
    %slice3A_15 = vector.extract_strided_slice %convert_element_type3A {offsets = [0, 128], sizes = [256, 128], strides = [1, 1]} : vector<256x8192xbf16> to vector<256x128xbf16>
    %get3A_16 = arith.constant 1 : index
    %get3A_17 = arith.constant 0 : index
    %get3A_18 = arith.constant 0 : index
    %get3A_19 = vector.load %arg2[%get3A_16, %get3A_17, %get3A_18] : memref<64x128x128xbf16, #tpu.memory_space<vmem>>, vector<1x128x128xbf16>
    %get3A_20 = vector.shape_cast %get3A_19 : vector<1x128x128xbf16> to vector<128x128xbf16>
    %dot_general3A_21 = arith.constant dense<0.000000e+00> : vector<256x128xf32>
    %dot_general3A_22 = tpu.matmul %slice3A_15, %get3A_20, %dot_general3A_21 {dimension_numbers = #tpu.dot_dimension_numbers<[1], [1], [0], [0], [0, 0, 1, 0], [], []>, transpose_lhs_hint = false} : vector<256x128xbf16>, vector<128x128xbf16>, vector<256x128xf32> -> vector<256x128xf32>
    %get3A_23 = arith.constant 1 : index
    %get3A_24 = arith.constant 0 : index
    %get3A_25 = vector.load %arg3[%get3A_23, %get3A_24] : memref<64x128xf32, #tpu.memory_space<vmem>>, vector<1x128xf32>
    %get3A_26 = vector.shape_cast %get3A_25 : vector<1x128xf32> to vector<128xf32>
    %broadcast_in_dim3A_27 = vector.shape_cast %get3A_26 : vector<128xf32> to vector<1x128xf32>
    %add3A_28 = vector.broadcast %broadcast_in_dim3A_27 : vector<1x128xf32> to vector<256x128xf32>
    %add3A_29 = arith.addf %dot_general3A_22, %add3A_28 : vector<256x128xf32>
    %swap3A_30 = arith.constant 0 : index
    %swap3A_31 = arith.constant 128 : index
    %swap3A_32 = vector.load %arg4[%swap3A_30, %swap3A_31] : memref<256x8192xf32, #tpu.memory_space<vmem>>, vector<256x128xf32>
    tpu.vector_store %arg4[%swap3A_30, %swap3A_31], %add3A_29 {strides = array<i32>} : memref<256x8192xf32, #tpu.memory_space<vmem>>, vector<256x128xf32>,
    %slice3A_33 = vector.extract_strided_slice %convert_element_type3A {offsets = [0, 256], sizes = [256, 128], strides = [1, 1]} : vector<256x8192xbf16> to vector<256x128xbf16>
    %get3A_34 = arith.constant 2 : index
    %get3A_35 = arith.constant 0 : index
    %get3A_36 = arith.constant 0 : index
    %get3A_37 = vector.load %arg2[%get3A_34, %get3A_35, %get3A_36] : memref<64x128x128xbf16, #tpu.memory_space<vmem>>, vector<1x128x128xbf16>
    %get3A_38 = vector.shape_cast %get3A_37 : vector<1x128x128xbf16> to vector<128x128xbf16>
    %dot_general3A_39 = arith.constant dense<0.000000e+00> : vector<256x128xf32>
    %dot_general3A_40 = tpu.matmul %slice3A_33, %get3A_38, %dot_general3A_39 {dimension_numbers = #tpu.dot_dimension_numbers<[1], [1], [0], [0], [0, 0, 1, 0], [], []>, transpose_lhs_hint = false} : vector<256x128xbf16>, vector<128x128xbf16>, vector<256x128xf32> -> vector<256x128xf32>
    %get3A_41 = arith.constant 2 : index
    %get3A_42 = arith.constant 0 : index
    %get3A_43 = vector.load %arg3[%get3A_41, %get3A_42] : memref<64x128xf32, #tpu.memory_space<vmem>>, vector<1x128xf32>
    %get3A_44 = vector.shape_cast %get3A_43 : vector<1x128xf32> to vector<128xf32>
    %broadcast_in_dim3A_45 = vector.shape_cast %get3A_44 : vector<128xf32> to vector<1x128xf32>
    %add3A_46 = vector.broadcast %broadcast_in_dim3A_45 : vector<1x128xf32> to vector<256x128xf32>
    %add3A_47 = arith.addf %dot_general3A_40, %add3A_46 : vector<256x128xf32>
    %swap3A_48 = arith.constant 0 : index
    %swap3A_49 = arith.constant 256 : index
    %swap3A_50 = vector.load %arg4[%swap3A_48, %swap3A_49] : memref<256x8192xf32, #tpu.memory_space<vmem>>, vector<256x128xf32>
    tpu.vector_store %arg4[%swap3A_48, %swap3A_49], %add3A_47 {strides = array<i32>} : memref<256x8192xf32, #tpu.memory_space<vmem>>, vector<256x128xf32>,
    %slice3A_51 = vector.extract_strided_slice %convert_element_type3A {offsets = [0, 384], sizes = [256, 128], strides = [1, 1]} : vector<256x8192xbf16> to vector<256x128xbf16>
    %get3A_52 = arith.constant 3 : index
    %get3A_53 = arith.constant 0 : index
    %get3A_54 = arith.constant 0 : index
    %get3A_55 = vector.load %arg2[%get3A_52, %get3A_53, %get3A_54] : memref<64x128x128xbf16, #tpu.memory_space<vmem>>, vector<1x128x128xbf16>
    %get3A_56 = vector.shape_cast %get3A_55 : vector<1x128x128xbf16> to vector<128x128xbf16>
    %dot_general3A_57 = arith.constant dense<0.000000e+00> : vector<256x128xf32>
    %dot_general3A_58 = tpu.matmul %slice3A_51, %get3A_56, %dot_general3A_57 {dimension_numbers = #tpu.dot_dimension_numbers<[1], [1], [0], [0], [0, 0, 1, 0], [], []>, transpose_lhs_hint = false} : vector<256x128xbf16>, vector<128x128xbf16>, vector<256x128xf32> -> vector<256x128xf32>
    %get3A_59 = arith.constant 3 : index
    %get3A_60 = arith.constant 0 : index
    %get3A_61 = vector.load %arg3[%get3A_59, %get3A_60] : memref<64x128xf32, #tpu.memory_space<vmem>>, vector<1x128xf32>
    %get3A_62 = vector.shape_cast %get3A_61 : vector<1x128xf32> to vector<128xf32>
    %broadcast_in_dim3A_63 = vector.shape_cast %get3A_62 : vector<128xf32> to vector<1x128xf32>
    %add3A_64 = vector.broadcast %broadcast_in_dim3A_63 : vector<1x128xf32> to vector<256x128xf32>
    %add3A_65 = arith.addf %dot_general3A_58, %add3A_64 : vector<256x128xf32>
    %swap3A_66 = arith.constant 0 : index
    %swap3A_67 = arith.constant 384 : index
    %swap3A_68 = vector.load %arg4[%swap3A_66, %swap3A_67] : memref<256x8192xf32, #tpu.memory_space<vmem>>, vector<256x128xf32>
    tpu.vector_store %arg4[%swap3A_66, %swap3A_67], %add3A_65 {strides = array<i32>} : memref<256x8192xf32, #tpu.memory_space<vmem>>, vector<256x128xf32>,
    %slice3A_69 = vector.extract_strided_slice %convert_element_type3A {offsets = [0, 512], sizes = [256, 128], strides = [1, 1]} : vector<256x8192xbf16> to vector<256x128xbf16>
    %get3A_70 = arith.constant 4 : index
    %get3A_71 = arith.constant 0 : index
    %get3A_72 = arith.constant 0 : index
    %get3A_73 = vector.load %arg2[%get3A_70, %get3A_71, %get3A_72] : memref<64x128x128xbf16, #tpu.memory_space<vmem>>, vector<1x128x128xbf16>
    %get3A_74 = vector.shape_cast %get3A_73 : vector<1x128x128xbf16> to vector<128x128xbf16>
    %dot_general3A_75 = arith.constant dense<0.000000e+00> : vector<256x128xf32>
    %dot_general3A_76 = tpu.matmul %slice3A_69, %get3A_74, %dot_general3A_75 {dimension_numbers = #tpu.dot_dimension_numbers<[1], [1], [0], [0], [0, 0, 1, 0], [], []>, transpose_lhs_hint = false} : vector<256x128xbf16>, vector<128x128xbf16>, vector<256x128xf32> -> vector<256x128xf32>
    %get3A_77 = arith.constant 4 : index
    %get3A_78 = arith.constant 0 : index
    %get3A_79 = vector.load %arg3[%get3A_77, %get3A_78] : memref<64x128xf32, #tpu.memory_space<vmem>>, vector<1x128xf32>
    %get3A_80 = vector.shape_cast %get3A_79 : vector<1x128xf32> to vector<128xf32>
    %broadcast_in_dim3A_81 = vector.shape_cast %get3A_80 : vector<128xf32> to vector<1x128xf32>
    %add3A_82 = vector.broadcast %broadcast_in_dim3A_81 : vector<1x128xf32> to vector<256x128xf32>
    %add3A_83 = arith.addf %dot_general3A_76, %add3A_82 : vector<256x128xf32>
    %swap3A_84 = arith.constant 0 : index
    %swap3A_85 = arith.constant 512 : index
    %swap3A_86 = vector.load %arg4[%swap3A_84, %swap3A_85] : memref<256x8192xf32, #tpu.memory_space<vmem>>, vector<256x128xf32>
    tpu.vector_store %arg4[%swap3A_84, %swap3A_85], %add3A_83 {strides = array<i32>} : memref<256x8192xf32, #tpu.memory_space<vmem>>, vector<256x128xf32>,
    %slice3A_87 = vector.extract_strided_slice %convert_element_type3A {offsets = [0, 640], sizes = [256, 128], strides = [1, 1]} : vector<256x8192xbf16> to vector<256x128xbf16>
    %get3A_88 = arith.constant 5 : index
    %get3A_89 = arith.constant 0 : index
    %get3A_90 = arith.constant 0 : index
    %get3A_91 = vector.load %arg2[%get3A_88, %get3A_89, %get3A_90] : memref<64x128x128xbf16, #tpu.memory_space<vmem>>, vector<1x128x128xbf16>
    %get3A_92 = vector.shape_cast %get3A_91 : vector<1x128x128xbf16> to vector<128x128xbf16>
    %dot_general3A_93 = arith.constant dense<0.000000e+00> : vector<256x128xf32>
    %dot_general3A_94 = tpu.matmul %slice3A_87, %get3A_92, %dot_general3A_93 {dimension_numbers = #tpu.dot_dimension_numbers<[1], [1], [0], [0], [0, 0, 1, 0], [], []>, transpose_lhs_hint = false} : vector<256x128xbf16>, vector<128x128xbf16>, vector<256x128xf32> -> vector<256x128xf32>
    %get3A_95 = arith.constant 5 : index
    %get3A_96 = arith.constant 0 : index
    %get3A_97 = vector.load %arg3[%get3A_95, %get3A_96] : memref<64x128xf32, #tpu.memory_space<vmem>>, vector<1x128xf32>
    %get3A_98 = vector.shape_cast %get3A_97 : vector<1x128xf32> to vector<128xf32>
    %broadcast_in_dim3A_99 = vector.shape_cast %get3A_98 : vector<128xf32> to vector<1x128xf32>
    %add3A_100 = vector.broadcast %broadcast_in_dim3A_99 : vector<1x128xf32> to vector<256x128xf32>
    %add3A_101 = arith.addf %dot_general3A_94, %add3A_100 : vector<256x128xf32>
    %swap3A_102 = arith.constant 0 : index
    %swap3A_103 = arith.constant 640 : index
    %swap3A_104 = vector.load %arg4[%swap3A_102, %swap3A_103] : memref<256x8192xf32, #tpu.memory_space<vmem>>, vector<256x128xf32>
    tpu.vector_store %arg4[%swap3A_102, %swap3A_103], %add3A_101 {strides = array<i32>} : memref<256x8192xf32, #tpu.memory_space<vmem>>, vector<256x128xf32>,
    %slice3A_105 = vector.extract_strided_slice %convert_element_type3A {offsets = [0, 768], sizes = [256, 128], strides = [1, 1]} : vector<256x8192xbf16> to vector<256x128xbf16>
    %get3A_106 = arith.constant 6 : index
    %get3A_107 = arith.constant 0 : index
    %get3A_108 = arith.constant 0 : index
    %get3A_109 = vector.load %arg2[%get3A_106, %get3A_107, %get3A_108] : memref<64x128x128xbf16, #tpu.memory_space<vmem>>, vector<1x128x128xbf16>
    %get3A_110 = vector.shape_cast %get3A_109 : vector<1x128x128xbf16> to vector<128x128xbf16>
    %dot_general3A_111 = arith.constant dense<0.000000e+00> : vector<256x128xf32>
    %dot_general3A_112 = tpu.matmul %slice3A_105, %get3A_110, %dot_general3A_111 {dimension_numbers = #tpu.dot_dimension_numbers<[1], [1], [0], [0], [0, 0, 1, 0], [], []>, transpose_lhs_hint = false} : vector<256x128xbf16>, vector<128x128xbf16>, vector<256x128xf32> -> vector<256x128xf32>
    %get3A_113 = arith.constant 6 : index
    %get3A_114 = arith.constant 0 : index
    %get3A_115 = vector.load %arg3[%get3A_113, %get3A_114] : memref<64x128xf32, #tpu.memory_space<vmem>>, vector<1x128xf32>
    %get3A_116 = vector.shape_cast %get3A_115 : vector<1x128xf32> to vector<128xf32>
    %broadcast_in_dim3A_117 = vector.shape_cast %get3A_116 : vector<128xf32> to vector<1x128xf32>
    %add3A_118 = vector.broadcast %broadcast_in_dim3A_117 : vector<1x128xf32> to vector<256x128xf32>
    %add3A_119 = arith.addf %dot_general3A_112, %add3A_118 : vector<256x128xf32>
    %swap3A_120 = arith.constant 0 : index
    %swap3A_121 = arith.constant 768 : index
    %swap3A_122 = vector.load %arg4[%swap3A_120, %swap3A_121] : memref<256x8192xf32, #tpu.memory_space<vmem>>, vector<256x128xf32>
    tpu.vector_store %arg4[%swap3A_120, %swap3A_121], %add3A_119 {strides = array<i32>} : memref<256x8192xf32, #tpu.memory_space<vmem>>, vector<256x128xf32>,
    %slice3A_123 = vector.extract_strided_slice %convert_element_type3A {offsets = [0, 896], sizes = [256, 128], strides = [1, 1]} : vector<256x8192xbf16> to vector<256x128xbf16>
    %get3A_124 = arith.constant 7 : index
    %get3A_125 = arith.constant 0 : index
    %get3A_126 = arith.constant 0 : index
    %get3A_127 = vector.load %arg2[%get3A_124, %get3A_125, %get3A_126] : memref<64x128x128xbf16, #tpu.memory_space<vmem>>, vector<1x128x128xbf16>
    %get3A_128 = vector.shape_cast %get3A_127 : vector<1x128x128xbf16> to vector<128x128xbf16>
    %dot_general3A_129 = arith.constant dense<0.000000e+00> : vector<256x128xf32>
    %dot_general3A_130 = tpu.matmul %slice3A_123, %get3A_128, %dot_general3A_129 {dimension_numbers = #tpu.dot_dimension_numbers<[1], [1], [0], [0], [0, 0, 1, 0], [], []>, transpose_lhs_hint = false} : vector<256x128xbf16>, vector<128x128xbf16>, vector<256x128xf32> -> vector<256x128xf32>
    %get3A_131 = arith.constant 7 : index
    %get3A_132 = arith.constant 0 : index
    %get3A_133 = vector.load %arg3[%get3A_131, %get3A_132] : memref<64x128xf32, #tpu.memory_space<vmem>>, vector<1x128xf32>
    %get3A_134 = vector.shape_cast %get3A_133 : vector<1x128xf32> to vector<128xf32>
    %broadcast_in_dim3A_135 = vector.shape_cast %get3A_134 : vector<128xf32> to vector<1x128xf32>
    %add3A_136 = vector.broadcast %broadcast_in_dim3A_135 : vector<1x128xf32> to vector<256x128xf32>
    %add3A_137 = arith.addf %dot_general3A_130, %add3A_136 : vector<256x128xf32>
    %swap3A_138 = arith.constant 0 : index
    %swap3A_139 = arith.constant 896 : index
    %swap3A_140 = vector.load %arg4[%swap3A_138, %swap3A_139] : memref<256x8192xf32, #tpu.memory_space<vmem>>, vector<256x128xf32>
    tpu.vector_store %arg4[%swap3A_138, %swap3A_139], %add3A_137 {strides = array<i32>} : memref<256x8192xf32, #tpu.memory_space<vmem>>, vector<256x128xf32>,
    %slice3A_141 = vector.extract_strided_slice %convert_element_type3A {offsets = [0, 1024], sizes = [256, 128], strides = [1, 1]} : vector<256x8192xbf16> to vector<256x128xbf16>
    %get3A_142 = arith.constant 8 : index
    %get3A_143 = arith.constant 0 : index
    %get3A_144 = arith.constant 0 : index
    %get3A_145 = vector.load %arg2[%get3A_142, %get3A_143, %get3A_144] : memref<64x128x128xbf16, #tpu.memory_space<vmem>>, vector<1x128x128xbf16>
    %get3A_146 = vector.shape_cast %get3A_145 : vector<1x128x128xbf16> to vector<128x128xbf16>
    %dot_general3A_147 = arith.constant dense<0.000000e+00> : vector<256x128xf32>
    %dot_general3A_148 = tpu.matmul %slice3A_141, %get3A_146, %dot_general3A_147 {dimension_numbers = #tpu.dot_dimension_numbers<[1], [1], [0], [0], [0, 0, 1, 0], [], []>, transpose_lhs_hint = false} : vector<256x128xbf16>, vector<128x128xbf16>, vector<256x128xf32> -> vector<256x128xf32>
    %get3A_149 = arith.constant 8 : index
    %get3A_150 = arith.constant 0 : index
    %get3A_151 = vector.load %arg3[%get3A_149, %get3A_150] : memref<64x128xf32, #tpu.memory_space<vmem>>, vector<1x128xf32>
    %get3A_152 = vector.shape_cast %get3A_151 : vector<1x128xf32> to vector<128xf32>
    %broadcast_in_dim3A_153 = vector.shape_cast %get3A_152 : vector<128xf32> to vector<1x128xf32>
    %add3A_154 = vector.broadcast %broadcast_in_dim3A_153 : vector<1x128xf32> to vector<256x128xf32>
    %add3A_155 = arith.addf %dot_general3A_148, %add3A_154 : vector<256x128xf32>
    %swap3A_156 = arith.constant 0 : index
    %swap3A_157 = arith.constant 1024 : index
    %swap3A_158 = vector.load %arg4[%swap3A_156, %swap3A_157] : memref<256x8192xf32, #tpu.memory_space<vmem>>, vector<256x128xf32>
    tpu.vector_store %arg4[%swap3A_156, %swap3A_157], %add3A_155 {strides = array<i32>} : memref<256x8192xf32, #tpu.memory_space<vmem>>, vector<256x128xf32>,
    %slice3A_159 = vector.extract_strided_slice %convert_element_type3A {offsets = [0, 1152], sizes = [256, 128], strides = [1, 1]} : vector<256x8192xbf16> to vector<256x128xbf16>
    %get3A_160 = arith.constant 9 : index
    %get3A_161 = arith.constant 0 : index
    %get3A_162 = arith.constant 0 : index
    %get3A_163 = vector.load %arg2[%get3A_160, %get3A_161, %get3A_162] : memref<64x128x128xbf16, #tpu.memory_space<vmem>>, vector<1x128x128xbf16>
    %get3A_164 = vector.shape_cast %get3A_163 : vector<1x128x128xbf16> to vector<128x128xbf16>
    %dot_general3A_165 = arith.constant dense<0.000000e+00> : vector<256x128xf32>
    %dot_general3A_166 = tpu.matmul %slice3A_159, %get3A_164, %dot_general3A_165 {dimension_numbers = #tpu.dot_dimension_numbers<[1], [1], [0], [0], [0, 0, 1, 0], [], []>, transpose_lhs_hint = false} : vector<256x128xbf16>, vector<128x128xbf16>, vector<256x128xf32> -> vector<256x128xf32>
    %get3A_167 = arith.constant 9 : index
    %get3A_168 = arith.constant 0 : index
    %get3A_169 = vector.load %arg3[%get3A_167, %get3A_168] : memref<64x128xf32, #tpu.memory_space<vmem>>, vector<1x128xf32>
    %get3A_170 = vector.shape_cast %get3A_169 : vector<1x128xf32> to vector<128xf32>
    %broadcast_in_dim3A_171 = vector.shape_cast %get3A_170 : vector<128xf32> to vector<1x128xf32>
    %add3A_172 = vector.broadcast %broadcast_in_dim3A_171 : vector<1x128xf32> to vector<256x128xf32>
    %add3A_173 = arith.addf %dot_general3A_166, %add3A_172 : vector<256x128xf32>
    %swap3A_174 = arith.constant 0 : index
    %swap3A_175 = arith.constant 1152 : index
    %swap3A_176 = vector.load %arg4[%swap3A_174, %swap3A_175] : memref<256x8192xf32, #tpu.memory_space<vmem>>, vector<256x128xf32>
    tpu.vector_store %arg4[%swap3A_174, %swap3A_175], %add3A_173 {strides = array<i32>} : memref<256x8192xf32, #tpu.memory_space<vmem>>, vector<256x128xf32>,
    %slice3A_177 = vector.extract_strided_slice %convert_element_type3A {offsets = [0, 1280], sizes = [256, 128], strides = [1, 1]} : vector<256x8192xbf16> to vector<256x128xbf16>
    %get3A_178 = arith.constant 10 : index
    %get3A_179 = arith.constant 0 : index
    %get3A_180 = arith.constant 0 : index
    %get3A_181 = vector.load %arg2[%get3A_178, %get3A_179, %get3A_180] : memref<64x128x128xbf16, #tpu.memory_space<vmem>>, vector<1x128x128xbf16>
    %get3A_182 = vector.shape_cast %get3A_181 : vector<1x128x128xbf16> to vector<128x128xbf16>
    %dot_general3A_183 = arith.constant dense<0.000000e+00> : vector<256x128xf32>
    %dot_general3A_184 = tpu.matmul %slice3A_177, %get3A_182, %dot_general3A_183 {dimension_numbers = #tpu.dot_dimension_numbers<[1], [1], [0], [0], [0, 0, 1, 0], [], []>, transpose_lhs_hint = false} : vector<256x128xbf16>, vector<128x128xbf16>, vector<256x128xf32> -> vector<256x128xf32>
    %get3A_185 = arith.constant 10 : index
    %get3A_186 = arith.constant 0 : index
    %get3A_187 = vector.load %arg3[%get3A_185, %get3A_186] : memref<64x128xf32, #tpu.memory_space<vmem>>, vector<1x128xf32>
    %get3A_188 = vector.shape_cast %get3A_187 : vector<1x128xf32> to vector<128xf32>
    %broadcast_in_dim3A_189 = vector.shape_cast %get3A_188 : vector<128xf32> to vector<1x128xf32>
    %add3A_190 = vector.broadcast %broadcast_in_dim3A_189 : vector<1x128xf32> to vector<256x128xf32>
    %add3A_191 = arith.addf %dot_general3A_184, %add3A_190 : vector<256x128xf32>
    %swap3A_192 = arith.constant 0 : index
    %swap3A_193 = arith.constant 1280 : index
    %swap3A_194 = vector.load %arg4[%swap3A_192, %swap3A_193] : memref<256x8192xf32, #tpu.memory_space<vmem>>, vector<256x128xf32>
    tpu.vector_store %arg4[%swap3A_192, %swap3A_193], %add3A_191 {strides = array<i32>} : memref<256x8192xf32, #tpu.memory_space<vmem>>, vector<256x128xf32>,
    %slice3A_195 = vector.extract_strided_slice %convert_element_type3A {offsets = [0, 1408], sizes = [256, 128], strides = [1, 1]} : vector<256x8192xbf16> to vector<256x128xbf16>
    %get3A_196 = arith.constant 11 : index
    %get3A_197 = arith.constant 0 : index
    %get3A_198 = arith.constant 0 : index
    %get3A_199 = vector.load %arg2[%get3A_196, %get3A_197, %get3A_198] : memref<64x128x128xbf16, #tpu.memory_space<vmem>>, vector<1x128x128xbf16>
    %get3A_200 = vector.shape_cast %get3A_199 : vector<1x128x128xbf16> to vector<128x128xbf16>
    %dot_general3A_201 = arith.constant dense<0.000000e+00> : vector<256x128xf32>
    %dot_general3A_202 = tpu.matmul %slice3A_195, %get3A_200, %dot_general3A_201 {dimension_numbers = #tpu.dot_dimension_numbers<[1], [1], [0], [0], [0, 0, 1, 0], [], []>, transpose_lhs_hint = false} : vector<256x128xbf16>, vector<128x128xbf16>, vector<256x128xf32> -> vector<256x128xf32>
    %get3A_203 = arith.constant 11 : index
    %get3A_204 = arith.constant 0 : index
    %get3A_205 = vector.load %arg3[%get3A_203, %get3A_204] : memref<64x128xf32, #tpu.memory_space<vmem>>, vector<1x128xf32>
    %get3A_206 = vector.shape_cast %get3A_205 : vector<1x128xf32> to vector<128xf32>
    %broadcast_in_dim3A_207 = vector.shape_cast %get3A_206 : vector<128xf32> to vector<1x128xf32>
    %add3A_208 = vector.broadcast %broadcast_in_dim3A_207 : vector<1x128xf32> to vector<256x128xf32>
    %add3A_209 = arith.addf %dot_general3A_202, %add3A_208 : vector<256x128xf32>
    %swap3A_210 = arith.constant 0 : index
    %swap3A_211 = arith.constant 1408 : index
    %swap3A_212 = vector.load %arg4[%swap3A_210, %swap3A_211] : memref<256x8192xf32, #tpu.memory_space<vmem>>, vector<256x128xf32>
    tpu.vector_store %arg4[%swap3A_210, %swap3A_211], %add3A_209 {strides = array<i32>} : memref<256x8192xf32, #tpu.memory_space<vmem>>, vector<256x128xf32>,
    %slice3A_213 = vector.extract_strided_slice %convert_element_type3A {offsets = [0, 1536], sizes = [256, 128], strides = [1, 1]} : vector<256x8192xbf16> to vector<256x128xbf16>
    %get3A_214 = arith.constant 12 : index
    %get3A_215 = arith.constant 0 : index
    %get3A_216 = arith.constant 0 : index
    %get3A_217 = vector.load %arg2[%get3A_214, %get3A_215, %get3A_216] : memref<64x128x128xbf16, #tpu.memory_space<vmem>>, vector<1x128x128xbf16>
    %get3A_218 = vector.shape_cast %get3A_217 : vector<1x128x128xbf16> to vector<128x128xbf16>
    %dot_general3A_219 = arith.constant dense<0.000000e+00> : vector<256x128xf32>
    %dot_general3A_220 = tpu.matmul %slice3A_213, %get3A_218, %dot_general3A_219 {dimension_numbers = #tpu.dot_dimension_numbers<[1], [1], [0], [0], [0, 0, 1, 0], [], []>, transpose_lhs_hint = false} : vector<256x128xbf16>, vector<128x128xbf16>, vector<256x128xf32> -> vector<256x128xf32>
    %get3A_221 = arith.constant 12 : index
    %get3A_222 = arith.constant 0 : index
    %get3A_223 = vector.load %arg3[%get3A_221, %get3A_222] : memref<64x128xf32, #tpu.memory_space<vmem>>, vector<1x128xf32>
    %get3A_224 = vector.shape_cast %get3A_223 : vector<1x128xf32> to vector<128xf32>
    %broadcast_in_dim3A_225 = vector.shape_cast %get3A_224 : vector<128xf32> to vector<1x128xf32>
    %add3A_226 = vector.broadcast %broadcast_in_dim3A_225 : vector<1x128xf32> to vector<256x128xf32>
    %add3A_227 = arith.addf %dot_general3A_220, %add3A_226 : vector<256x128xf32>
    %swap3A_228 = arith.constant 0 : index
    %swap3A_229 = arith.constant 1536 : index
    %swap3A_230 = vector.load %arg4[%swap3A_228, %swap3A_229] : memref<256x8192xf32, #tpu.memory_space<vmem>>, vector<256x128xf32>
    tpu.vector_store %arg4[%swap3A_228, %swap3A_229], %add3A_227 {strides = array<i32>} : memref<256x8192xf32, #tpu.memory_space<vmem>>, vector<256x128xf32>,
    %slice3A_231 = vector.extract_strided_slice %convert_element_type3A {offsets = [0, 1664], sizes = [256, 128], strides = [1, 1]} : vector<256x8192xbf16> to vector<256x128xbf16>
    %get3A_232 = arith.constant 13 : index
    %get3A_233 = arith.constant 0 : index
    %get3A_234 = arith.constant 0 : index
    %get3A_235 = vector.load %arg2[%get3A_232, %get3A_233, %get3A_234] : memref<64x128x128xbf16, #tpu.memory_space<vmem>>, vector<1x128x128xbf16>
    %get3A_236 = vector.shape_cast %get3A_235 : vector<1x128x128xbf16> to vector<128x128xbf16>
    %dot_general3A_237 = arith.constant dense<0.000000e+00> : vector<256x128xf32>
    %dot_general3A_238 = tpu.matmul %slice3A_231, %get3A_236, %dot_general3A_237 {dimension_numbers = #tpu.dot_dimension_numbers<[1], [1], [0], [0], [0, 0, 1, 0], [], []>, transpose_lhs_hint = false} : vector<256x128xbf16>, vector<128x128xbf16>, vector<256x128xf32> -> vector<256x128xf32>
    %get3A_239 = arith.constant 13 : index
    %get3A_240 = arith.constant 0 : index
    %get3A_241 = vector.load %arg3[%get3A_239, %get3A_240] : memref<64x128xf32, #tpu.memory_space<vmem>>, vector<1x128xf32>
    %get3A_242 = vector.shape_cast %get3A_241 : vector<1x128xf32> to vector<128xf32>
    %broadcast_in_dim3A_243 = vector.shape_cast %get3A_242 : vector<128xf32> to vector<1x128xf32>
    %add3A_244 = vector.broadcast %broadcast_in_dim3A_243 : vector<1x128xf32> to vector<256x128xf32>
    %add3A_245 = arith.addf %dot_general3A_238, %add3A_244 : vector<256x128xf32>
    %swap3A_246 = arith.constant 0 : index
    %swap3A_247 = arith.constant 1664 : index
    %swap3A_248 = vector.load %arg4[%swap3A_246, %swap3A_247] : memref<256x8192xf32, #tpu.memory_space<vmem>>, vector<256x128xf32>
    tpu.vector_store %arg4[%swap3A_246, %swap3A_247], %add3A_245 {strides = array<i32>} : memref<256x8192xf32, #tpu.memory_space<vmem>>, vector<256x128xf32>,
    %slice3A_249 = vector.extract_strided_slice %convert_element_type3A {offsets = [0, 1792], sizes = [256, 128], strides = [1, 1]} : vector<256x8192xbf16> to vector<256x128xbf16>
    %get3A_250 = arith.constant 14 : index
    %get3A_251 = arith.constant 0 : index
    %get3A_252 = arith.constant 0 : index
    %get3A_253 = vector.load %arg2[%get3A_250, %get3A_251, %get3A_252] : memref<64x128x128xbf16, #tpu.memory_space<vmem>>, vector<1x128x128xbf16>
    %get3A_254 = vector.shape_cast %get3A_253 : vector<1x128x128xbf16> to vector<128x128xbf16>
    %dot_general3A_255 = arith.constant dense<0.000000e+00> : vector<256x128xf32>
    %dot_general3A_256 = tpu.matmul %slice3A_249, %get3A_254, %dot_general3A_255 {dimension_numbers = #tpu.dot_dimension_numbers<[1], [1], [0], [0], [0, 0, 1, 0], [], []>, transpose_lhs_hint = false} : vector<256x128xbf16>, vector<128x128xbf16>, vector<256x128xf32> -> vector<256x128xf32>
    %get3A_257 = arith.constant 14 : index
    %get3A_258 = arith.constant 0 : index
    %get3A_259 = vector.load %arg3[%get3A_257, %get3A_258] : memref<64x128xf32, #tpu.memory_space<vmem>>, vector<1x128xf32>
    %get3A_260 = vector.shape_cast %get3A_259 : vector<1x128xf32> to vector<128xf32>
    %broadcast_in_dim3A_261 = vector.shape_cast %get3A_260 : vector<128xf32> to vector<1x128xf32>
    %add3A_262 = vector.broadcast %broadcast_in_dim3A_261 : vector<1x128xf32> to vector<256x128xf32>
    %add3A_263 = arith.addf %dot_general3A_256, %add3A_262 : vector<256x128xf32>
    %swap3A_264 = arith.constant 0 : index
    %swap3A_265 = arith.constant 1792 : index
    %swap3A_266 = vector.load %arg4[%swap3A_264, %swap3A_265] : memref<256x8192xf32, #tpu.memory_space<vmem>>, vector<256x128xf32>
    tpu.vector_store %arg4[%swap3A_264, %swap3A_265], %add3A_263 {strides = array<i32>} : memref<256x8192xf32, #tpu.memory_space<vmem>>, vector<256x128xf32>,
    %slice3A_267 = vector.extract_strided_slice %convert_element_type3A {offsets = [0, 1920], sizes = [256, 128], strides = [1, 1]} : vector<256x8192xbf16> to vector<256x128xbf16>
    %get3A_268 = arith.constant 15 : index
    %get3A_269 = arith.constant 0 : index
    %get3A_270 = arith.constant 0 : index
    %get3A_271 = vector.load %arg2[%get3A_268, %get3A_269, %get3A_270] : memref<64x128x128xbf16, #tpu.memory_space<vmem>>, vector<1x128x128xbf16>
    %get3A_272 = vector.shape_cast %get3A_271 : vector<1x128x128xbf16> to vector<128x128xbf16>
    %dot_general3A_273 = arith.constant dense<0.000000e+00> : vector<256x128xf32>
    %dot_general3A_274 = tpu.matmul %slice3A_267, %get3A_272, %dot_general3A_273 {dimension_numbers = #tpu.dot_dimension_numbers<[1], [1], [0], [0], [0, 0, 1, 0], [], []>, transpose_lhs_hint = false} : vector<256x128xbf16>, vector<128x128xbf16>, vector<256x128xf32> -> vector<256x128xf32>
    %get3A_275 = arith.constant 15 : index
    %get3A_276 = arith.constant 0 : index
    %get3A_277 = vector.load %arg3[%get3A_275, %get3A_276] : memref<64x128xf32, #tpu.memory_space<vmem>>, vector<1x128xf32>
    %get3A_278 = vector.shape_cast %get3A_277 : vector<1x128xf32> to vector<128xf32>
    %broadcast_in_dim3A_279 = vector.shape_cast %get3A_278 : vector<128xf32> to vector<1x128xf32>
    %add3A_280 = vector.broadcast %broadcast_in_dim3A_279 : vector<1x128xf32> to vector<256x128xf32>
    %add3A_281 = arith.addf %dot_general3A_274, %add3A_280 : vector<256x128xf32>
    %swap3A_282 = arith.constant 0 : index
    %swap3A_283 = arith.constant 1920 : index
    %swap3A_284 = vector.load %arg4[%swap3A_282, %swap3A_283] : memref<256x8192xf32, #tpu.memory_space<vmem>>, vector<256x128xf32>
    tpu.vector_store %arg4[%swap3A_282, %swap3A_283], %add3A_281 {strides = array<i32>} : memref<256x8192xf32, #tpu.memory_space<vmem>>, vector<256x128xf32>,
    %slice3A_285 = vector.extract_strided_slice %convert_element_type3A {offsets = [0, 2048], sizes = [256, 128], strides = [1, 1]} : vector<256x8192xbf16> to vector<256x128xbf16>
    %get3A_286 = arith.constant 16 : index
    %get3A_287 = arith.constant 0 : index
    %get3A_288 = arith.constant 0 : index
    %get3A_289 = vector.load %arg2[%get3A_286, %get3A_287, %get3A_288] : memref<64x128x128xbf16, #tpu.memory_space<vmem>>, vector<1x128x128xbf16>
    %get3A_290 = vector.shape_cast %get3A_289 : vector<1x128x128xbf16> to vector<128x128xbf16>
    %dot_general3A_291 = arith.constant dense<0.000000e+00> : vector<256x128xf32>
    %dot_general3A_292 = tpu.matmul %slice3A_285, %get3A_290, %dot_general3A_291 {dimension_numbers = #tpu.dot_dimension_numbers<[1], [1], [0], [0], [0, 0, 1, 0], [], []>, transpose_lhs_hint = false} : vector<256x128xbf16>, vector<128x128xbf16>, vector<256x128xf32> -> vector<256x128xf32>
    %get3A_293 = arith.constant 16 : index
    %get3A_294 = arith.constant 0 : index
    %get3A_295 = vector.load %arg3[%get3A_293, %get3A_294] : memref<64x128xf32, #tpu.memory_space<vmem>>, vector<1x128xf32>
    %get3A_296 = vector.shape_cast %get3A_295 : vector<1x128xf32> to vector<128xf32>
    %broadcast_in_dim3A_297 = vector.shape_cast %get3A_296 : vector<128xf32> to vector<1x128xf32>
    %add3A_298 = vector.broadcast %broadcast_in_dim3A_297 : vector<1x128xf32> to vector<256x128xf32>
    %add3A_299 = arith.addf %dot_general3A_292, %add3A_298 : vector<256x128xf32>
    %swap3A_300 = arith.constant 0 : index
    %swap3A_301 = arith.constant 2048 : index
    %swap3A_302 = vector.load %arg4[%swap3A_300, %swap3A_301] : memref<256x8192xf32, #tpu.memory_space<vmem>>, vector<256x128xf32>
    tpu.vector_store %arg4[%swap3A_300, %swap3A_301], %add3A_299 {strides = array<i32>} : memref<256x8192xf32, #tpu.memory_space<vmem>>, vector<256x128xf32>,
    %slice3A_303 = vector.extract_strided_slice %convert_element_type3A {offsets = [0, 2176], sizes = [256, 128], strides = [1, 1]} : vector<256x8192xbf16> to vector<256x128xbf16>
    %get3A_304 = arith.constant 17 : index
    %get3A_305 = arith.constant 0 : index
    %get3A_306 = arith.constant 0 : index
    %get3A_307 = vector.load %arg2[%get3A_304, %get3A_305, %get3A_306] : memref<64x128x128xbf16, #tpu.memory_space<vmem>>, vector<1x128x128xbf16>
    %get3A_308 = vector.shape_cast %get3A_307 : vector<1x128x128xbf16> to vector<128x128xbf16>
    %dot_general3A_309 = arith.constant dense<0.000000e+00> : vector<256x128xf32>
    %dot_general3A_310 = tpu.matmul %slice3A_303, %get3A_308, %dot_general3A_309 {dimension_numbers = #tpu.dot_dimension_numbers<[1], [1], [0], [0], [0, 0, 1, 0], [], []>, transpose_lhs_hint = false} : vector<256x128xbf16>, vector<128x128xbf16>, vector<256x128xf32> -> vector<256x128xf32>
    %get3A_311 = arith.constant 17 : index
    %get3A_312 = arith.constant 0 : index
    %get3A_313 = vector.load %arg3[%get3A_311, %get3A_312] : memref<64x128xf32, #tpu.memory_space<vmem>>, vector<1x128xf32>
    %get3A_314 = vector.shape_cast %get3A_313 : vector<1x128xf32> to vector<128xf32>
    %broadcast_in_dim3A_315 = vector.shape_cast %get3A_314 : vector<128xf32> to vector<1x128xf32>
    %add3A_316 = vector.broadcast %broadcast_in_dim3A_315 : vector<1x128xf32> to vector<256x128xf32>
    %add3A_317 = arith.addf %dot_general3A_310, %add3A_316 : vector<256x128xf32>
    %swap3A_318 = arith.constant 0 : index
    %swap3A_319 = arith.constant 2176 : index
    %swap3A_320 = vector.load %arg4[%swap3A_318, %swap3A_319] : memref<256x8192xf32, #tpu.memory_space<vmem>>, vector<256x128xf32>
    tpu.vector_store %arg4[%swap3A_318, %swap3A_319], %add3A_317 {strides = array<i32>} : memref<256x8192xf32, #tpu.memory_space<vmem>>, vector<256x128xf32>,
    %slice3A_321 = vector.extract_strided_slice %convert_element_type3A {offsets = [0, 2304], sizes = [256, 128], strides = [1, 1]} : vector<256x8192xbf16> to vector<256x128xbf16>
    %get3A_322 = arith.constant 18 : index
    %get3A_323 = arith.constant 0 : index
    %get3A_324 = arith.constant 0 : index
    %get3A_325 = vector.load %arg2[%get3A_322, %get3A_323, %get3A_324] : memref<64x128x128xbf16, #tpu.memory_space<vmem>>, vector<1x128x128xbf16>
    %get3A_326 = vector.shape_cast %get3A_325 : vector<1x128x128xbf16> to vector<128x128xbf16>
    %dot_general3A_327 = arith.constant dense<0.000000e+00> : vector<256x128xf32>
    %dot_general3A_328 = tpu.matmul %slice3A_321, %get3A_326, %dot_general3A_327 {dimension_numbers = #tpu.dot_dimension_numbers<[1], [1], [0], [0], [0, 0, 1, 0], [], []>, transpose_lhs_hint = false} : vector<256x128xbf16>, vector<128x128xbf16>, vector<256x128xf32> -> vector<256x128xf32>
    %get3A_329 = arith.constant 18 : index
    %get3A_330 = arith.constant 0 : index
    %get3A_331 = vector.load %arg3[%get3A_329, %get3A_330] : memref<64x128xf32, #tpu.memory_space<vmem>>, vector<1x128xf32>
    %get3A_332 = vector.shape_cast %get3A_331 : vector<1x128xf32> to vector<128xf32>
    %broadcast_in_dim3A_333 = vector.shape_cast %get3A_332 : vector<128xf32> to vector<1x128xf32>
    %add3A_334 = vector.broadcast %broadcast_in_dim3A_333 : vector<1x128xf32> to vector<256x128xf32>
    %add3A_335 = arith.addf %dot_general3A_328, %add3A_334 : vector<256x128xf32>
    %swap3A_336 = arith.constant 0 : index
    %swap3A_337 = arith.constant 2304 : index
    %swap3A_338 = vector.load %arg4[%swap3A_336, %swap3A_337] : memref<256x8192xf32, #tpu.memory_space<vmem>>, vector<256x128xf32>
    tpu.vector_store %arg4[%swap3A_336, %swap3A_337], %add3A_335 {strides = array<i32>} : memref<256x8192xf32, #tpu.memory_space<vmem>>, vector<256x128xf32>,
    %slice3A_339 = vector.extract_strided_slice %convert_element_type3A {offsets = [0, 2432], sizes = [256, 128], strides = [1, 1]} : vector<256x8192xbf16> to vector<256x128xbf16>
    %get3A_340 = arith.constant 19 : index
    %get3A_341 = arith.constant 0 : index
    %get3A_342 = arith.constant 0 : index
    %get3A_343 = vector.load %arg2[%get3A_340, %get3A_341, %get3A_342] : memref<64x128x128xbf16, #tpu.memory_space<vmem>>, vector<1x128x128xbf16>
    %get3A_344 = vector.shape_cast %get3A_343 : vector<1x128x128xbf16> to vector<128x128xbf16>
    %dot_general3A_345 = arith.constant dense<0.000000e+00> : vector<256x128xf32>
    %dot_general3A_346 = tpu.matmul %slice3A_339, %get3A_344, %dot_general3A_345 {dimension_numbers = #tpu.dot_dimension_numbers<[1], [1], [0], [0], [0, 0, 1, 0], [], []>, transpose_lhs_hint = false} : vector<256x128xbf16>, vector<128x128xbf16>, vector<256x128xf32> -> vector<256x128xf32>
    %get3A_347 = arith.constant 19 : index
    %get3A_348 = arith.constant 0 : index
    %get3A_349 = vector.load %arg3[%get3A_347, %get3A_348] : memref<64x128xf32, #tpu.memory_space<vmem>>, vector<1x128xf32>
    %get3A_350 = vector.shape_cast %get3A_349 : vector<1x128xf32> to vector<128xf32>
    %broadcast_in_dim3A_351 = vector.shape_cast %get3A_350 : vector<128xf32> to vector<1x128xf32>
    %add3A_352 = vector.broadcast %broadcast_in_dim3A_351 : vector<1x128xf32> to vector<256x128xf32>
    %add3A_353 = arith.addf %dot_general3A_346, %add3A_352 : vector<256x128xf32>
    %swap3A_354 = arith.constant 0 : index
    %swap3A_355 = arith.constant 2432 : index
    %swap3A_356 = vector.load %arg4[%swap3A_354, %swap3A_355] : memref<256x8192xf32, #tpu.memory_space<vmem>>, vector<256x128xf32>
    tpu.vector_store %arg4[%swap3A_354, %swap3A_355], %add3A_353 {strides = array<i32>} : memref<256x8192xf32, #tpu.memory_space<vmem>>, vector<256x128xf32>,
    %slice3A_357 = vector.extract_strided_slice %convert_element_type3A {offsets = [0, 2560], sizes = [256, 128], strides = [1, 1]} : vector<256x8192xbf16> to vector<256x128xbf16>
    %get3A_358 = arith.constant 20 : index
    %get3A_359 = arith.constant 0 : index
    %get3A_360 = arith.constant 0 : index
    %get3A_361 = vector.load %arg2[%get3A_358, %get3A_359, %get3A_360] : memref<64x128x128xbf16, #tpu.memory_space<vmem>>, vector<1x128x128xbf16>
    %get3A_362 = vector.shape_cast %get3A_361 : vector<1x128x128xbf16> to vector<128x128xbf16>
    %dot_general3A_363 = arith.constant dense<0.000000e+00> : vector<256x128xf32>
    %dot_general3A_364 = tpu.matmul %slice3A_357, %get3A_362, %dot_general3A_363 {dimension_numbers = #tpu.dot_dimension_numbers<[1], [1], [0], [0], [0, 0, 1, 0], [], []>, transpose_lhs_hint = false} : vector<256x128xbf16>, vector<128x128xbf16>, vector<256x128xf32> -> vector<256x128xf32>
    %get3A_365 = arith.constant 20 : index
    %get3A_366 = arith.constant 0 : index
    %get3A_367 = vector.load %arg3[%get3A_365, %get3A_366] : memref<64x128xf32, #tpu.memory_space<vmem>>, vector<1x128xf32>
    %get3A_368 = vector.shape_cast %get3A_367 : vector<1x128xf32> to vector<128xf32>
    %broadcast_in_dim3A_369 = vector.shape_cast %get3A_368 : vector<128xf32> to vector<1x128xf32>
    %add3A_370 = vector.broadcast %broadcast_in_dim3A_369 : vector<1x128xf32> to vector<256x128xf32>
    %add3A_371 = arith.addf %dot_general3A_364, %add3A_370 : vector<256x128xf32>
    %swap3A_372 = arith.constant 0 : index
    %swap3A_373 = arith.constant 2560 : index
    %swap3A_374 = vector.load %arg4[%swap3A_372, %swap3A_373] : memref<256x8192xf32, #tpu.memory_space<vmem>>, vector<256x128xf32>
    tpu.vector_store %arg4[%swap3A_372, %swap3A_373], %add3A_371 {strides = array<i32>} : memref<256x8192xf32, #tpu.memory_space<vmem>>, vector<256x128xf32>,
    %slice3A_375 = vector.extract_strided_slice %convert_element_type3A {offsets = [0, 2688], sizes = [256, 128], strides = [1, 1]} : vector<256x8192xbf16> to vector<256x128xbf16>
    %get3A_376 = arith.constant 21 : index
    %get3A_377 = arith.constant 0 : index
    %get3A_378 = arith.constant 0 : index
    %get3A_379 = vector.load %arg2[%get3A_376, %get3A_377, %get3A_378] : memref<64x128x128xbf16, #tpu.memory_space<vmem>>, vector<1x128x128xbf16>
    %get3A_380 = vector.shape_cast %get3A_379 : vector<1x128x128xbf16> to vector<128x128xbf16>
    %dot_general3A_381 = arith.constant dense<0.000000e+00> : vector<256x128xf32>
    %dot_general3A_382 = tpu.matmul %slice3A_375, %get3A_380, %dot_general3A_381 {dimension_numbers = #tpu.dot_dimension_numbers<[1], [1], [0], [0], [0, 0, 1, 0], [], []>, transpose_lhs_hint = false} : vector<256x128xbf16>, vector<128x128xbf16>, vector<256x128xf32> -> vector<256x128xf32>
    %get3A_383 = arith.constant 21 : index
    %get3A_384 = arith.constant 0 : index
    %get3A_385 = vector.load %arg3[%get3A_383, %get3A_384] : memref<64x128xf32, #tpu.memory_space<vmem>>, vector<1x128xf32>
    %get3A_386 = vector.shape_cast %get3A_385 : vector<1x128xf32> to vector<128xf32>
    %broadcast_in_dim3A_387 = vector.shape_cast %get3A_386 : vector<128xf32> to vector<1x128xf32>
    %add3A_388 = vector.broadcast %broadcast_in_dim3A_387 : vector<1x128xf32> to vector<256x128xf32>
    %add3A_389 = arith.addf %dot_general3A_382, %add3A_388 : vector<256x128xf32>
    %swap3A_390 = arith.constant 0 : index
    %swap3A_391 = arith.constant 2688 : index
    %swap3A_392 = vector.load %arg4[%swap3A_390, %swap3A_391] : memref<256x8192xf32, #tpu.memory_space<vmem>>, vector<256x128xf32>
    tpu.vector_store %arg4[%swap3A_390, %swap3A_391], %add3A_389 {strides = array<i32>} : memref<256x8192xf32, #tpu.memory_space<vmem>>, vector<256x128xf32>,
    %slice3A_393 = vector.extract_strided_slice %convert_element_type3A {offsets = [0, 2816], sizes = [256, 128], strides = [1, 1]} : vector<256x8192xbf16> to vector<256x128xbf16>
    %get3A_394 = arith.constant 22 : index
    %get3A_395 = arith.constant 0 : index
    %get3A_396 = arith.constant 0 : index
    %get3A_397 = vector.load %arg2[%get3A_394, %get3A_395, %get3A_396] : memref<64x128x128xbf16, #tpu.memory_space<vmem>>, vector<1x128x128xbf16>
    %get3A_398 = vector.shape_cast %get3A_397 : vector<1x128x128xbf16> to vector<128x128xbf16>
    %dot_general3A_399 = arith.constant dense<0.000000e+00> : vector<256x128xf32>
    %dot_general3A_400 = tpu.matmul %slice3A_393, %get3A_398, %dot_general3A_399 {dimension_numbers = #tpu.dot_dimension_numbers<[1], [1], [0], [0], [0, 0, 1, 0], [], []>, transpose_lhs_hint = false} : vector<256x128xbf16>, vector<128x128xbf16>, vector<256x128xf32> -> vector<256x128xf32>
    %get3A_401 = arith.constant 22 : index
    %get3A_402 = arith.constant 0 : index
    %get3A_403 = vector.load %arg3[%get3A_401, %get3A_402] : memref<64x128xf32, #tpu.memory_space<vmem>>, vector<1x128xf32>
    %get3A_404 = vector.shape_cast %get3A_403 : vector<1x128xf32> to vector<128xf32>
    %broadcast_in_dim3A_405 = vector.shape_cast %get3A_404 : vector<128xf32> to vector<1x128xf32>
    %add3A_406 = vector.broadcast %broadcast_in_dim3A_405 : vector<1x128xf32> to vector<256x128xf32>
    %add3A_407 = arith.addf %dot_general3A_400, %add3A_406 : vector<256x128xf32>
    %swap3A_408 = arith.constant 0 : index
    %swap3A_409 = arith.constant 2816 : index
    %swap3A_410 = vector.load %arg4[%swap3A_408, %swap3A_409] : memref<256x8192xf32, #tpu.memory_space<vmem>>, vector<256x128xf32>
    tpu.vector_store %arg4[%swap3A_408, %swap3A_409], %add3A_407 {strides = array<i32>} : memref<256x8192xf32, #tpu.memory_space<vmem>>, vector<256x128xf32>,
    %slice3A_411 = vector.extract_strided_slice %convert_element_type3A {offsets = [0, 2944], sizes = [256, 128], strides = [1, 1]} : vector<256x8192xbf16> to vector<256x128xbf16>
    %get3A_412 = arith.constant 23 : index
    %get3A_413 = arith.constant 0 : index
    %get3A_414 = arith.constant 0 : index
    %get3A_415 = vector.load %arg2[%get3A_412, %get3A_413, %get3A_414] : memref<64x128x128xbf16, #tpu.memory_space<vmem>>, vector<1x128x128xbf16>
    %get3A_416 = vector.shape_cast %get3A_415 : vector<1x128x128xbf16> to vector<128x128xbf16>
    %dot_general3A_417 = arith.constant dense<0.000000e+00> : vector<256x128xf32>
    %dot_general3A_418 = tpu.matmul %slice3A_411, %get3A_416, %dot_general3A_417 {dimension_numbers = #tpu.dot_dimension_numbers<[1], [1], [0], [0], [0, 0, 1, 0], [], []>, transpose_lhs_hint = false} : vector<256x128xbf16>, vector<128x128xbf16>, vector<256x128xf32> -> vector<256x128xf32>
    %get3A_419 = arith.constant 23 : index
    %get3A_420 = arith.constant 0 : index
    %get3A_421 = vector.load %arg3[%get3A_419, %get3A_420] : memref<64x128xf32, #tpu.memory_space<vmem>>, vector<1x128xf32>
    %get3A_422 = vector.shape_cast %get3A_421 : vector<1x128xf32> to vector<128xf32>
    %broadcast_in_dim3A_423 = vector.shape_cast %get3A_422 : vector<128xf32> to vector<1x128xf32>
    %add3A_424 = vector.broadcast %broadcast_in_dim3A_423 : vector<1x128xf32> to vector<256x128xf32>
    %add3A_425 = arith.addf %dot_general3A_418, %add3A_424 : vector<256x128xf32>
    %swap3A_426 = arith.constant 0 : index
    %swap3A_427 = arith.constant 2944 : index
    %swap3A_428 = vector.load %arg4[%swap3A_426, %swap3A_427] : memref<256x8192xf32, #tpu.memory_space<vmem>>, vector<256x128xf32>
    tpu.vector_store %arg4[%swap3A_426, %swap3A_427], %add3A_425 {strides = array<i32>} : memref<256x8192xf32, #tpu.memory_space<vmem>>, vector<256x128xf32>,
    %slice3A_429 = vector.extract_strided_slice %convert_element_type3A {offsets = [0, 3072], sizes = [256, 128], strides = [1, 1]} : vector<256x8192xbf16> to vector<256x128xbf16>
    %get3A_430 = arith.constant 24 : index
    %get3A_431 = arith.constant 0 : index
    %get3A_432 = arith.constant 0 : index
    %get3A_433 = vector.load %arg2[%get3A_430, %get3A_431, %get3A_432] : memref<64x128x128xbf16, #tpu.memory_space<vmem>>, vector<1x128x128xbf16>
    %get3A_434 = vector.shape_cast %get3A_433 : vector<1x128x128xbf16> to vector<128x128xbf16>
    %dot_general3A_435 = arith.constant dense<0.000000e+00> : vector<256x128xf32>
    %dot_general3A_436 = tpu.matmul %slice3A_429, %get3A_434, %dot_general3A_435 {dimension_numbers = #tpu.dot_dimension_numbers<[1], [1], [0], [0], [0, 0, 1, 0], [], []>, transpose_lhs_hint = false} : vector<256x128xbf16>, vector<128x128xbf16>, vector<256x128xf32> -> vector<256x128xf32>
    %get3A_437 = arith.constant 24 : index
    %get3A_438 = arith.constant 0 : index
    %get3A_439 = vector.load %arg3[%get3A_437, %get3A_438] : memref<64x128xf32, #tpu.memory_space<vmem>>, vector<1x128xf32>
    %get3A_440 = vector.shape_cast %get3A_439 : vector<1x128xf32> to vector<128xf32>
    %broadcast_in_dim3A_441 = vector.shape_cast %get3A_440 : vector<128xf32> to vector<1x128xf32>
    %add3A_442 = vector.broadcast %broadcast_in_dim3A_441 : vector<1x128xf32> to vector<256x128xf32>
    %add3A_443 = arith.addf %dot_general3A_436, %add3A_442 : vector<256x128xf32>
    %swap3A_444 = arith.constant 0 : index
    %swap3A_445 = arith.constant 3072 : index
    %swap3A_446 = vector.load %arg4[%swap3A_444, %swap3A_445] : memref<256x8192xf32, #tpu.memory_space<vmem>>, vector<256x128xf32>
    tpu.vector_store %arg4[%swap3A_444, %swap3A_445], %add3A_443 {strides = array<i32>} : memref<256x8192xf32, #tpu.memory_space<vmem>>, vector<256x128xf32>,
    %slice3A_447 = vector.extract_strided_slice %convert_element_type3A {offsets = [0, 3200], sizes = [256, 128], strides = [1, 1]} : vector<256x8192xbf16> to vector<256x128xbf16>
    %get3A_448 = arith.constant 25 : index
    %get3A_449 = arith.constant 0 : index
    %get3A_450 = arith.constant 0 : index
    %get3A_451 = vector.load %arg2[%get3A_448, %get3A_449, %get3A_450] : memref<64x128x128xbf16, #tpu.memory_space<vmem>>, vector<1x128x128xbf16>
    %get3A_452 = vector.shape_cast %get3A_451 : vector<1x128x128xbf16> to vector<128x128xbf16>
    %dot_general3A_453 = arith.constant dense<0.000000e+00> : vector<256x128xf32>
    %dot_general3A_454 = tpu.matmul %slice3A_447, %get3A_452, %dot_general3A_453 {dimension_numbers = #tpu.dot_dimension_numbers<[1], [1], [0], [0], [0, 0, 1, 0], [], []>, transpose_lhs_hint = false} : vector<256x128xbf16>, vector<128x128xbf16>, vector<256x128xf32> -> vector<256x128xf32>
    %get3A_455 = arith.constant 25 : index
    %get3A_456 = arith.constant 0 : index
    %get3A_457 = vector.load %arg3[%get3A_455, %get3A_456] : memref<64x128xf32, #tpu.memory_space<vmem>>, vector<1x128xf32>
    %get3A_458 = vector.shape_cast %get3A_457 : vector<1x128xf32> to vector<128xf32>
    %broadcast_in_dim3A_459 = vector.shape_cast %get3A_458 : vector<128xf32> to vector<1x128xf32>
    %add3A_460 = vector.broadcast %broadcast_in_dim3A_459 : vector<1x128xf32> to vector<256x128xf32>
    %add3A_461 = arith.addf %dot_general3A_454, %add3A_460 : vector<256x128xf32>
    %swap3A_462 = arith.constant 0 : index
    %swap3A_463 = arith.constant 3200 : index
    %swap3A_464 = vector.load %arg4[%swap3A_462, %swap3A_463] : memref<256x8192xf32, #tpu.memory_space<vmem>>, vector<256x128xf32>
    tpu.vector_store %arg4[%swap3A_462, %swap3A_463], %add3A_461 {strides = array<i32>} : memref<256x8192xf32, #tpu.memory_space<vmem>>, vector<256x128xf32>,
    %slice3A_465 = vector.extract_strided_slice %convert_element_type3A {offsets = [0, 3328], sizes = [256, 128], strides = [1, 1]} : vector<256x8192xbf16> to vector<256x128xbf16>
    %get3A_466 = arith.constant 26 : index
    %get3A_467 = arith.constant 0 : index
    %get3A_468 = arith.constant 0 : index
    %get3A_469 = vector.load %arg2[%get3A_466, %get3A_467, %get3A_468] : memref<64x128x128xbf16, #tpu.memory_space<vmem>>, vector<1x128x128xbf16>
    %get3A_470 = vector.shape_cast %get3A_469 : vector<1x128x128xbf16> to vector<128x128xbf16>
    %dot_general3A_471 = arith.constant dense<0.000000e+00> : vector<256x128xf32>
    %dot_general3A_472 = tpu.matmul %slice3A_465, %get3A_470, %dot_general3A_471 {dimension_numbers = #tpu.dot_dimension_numbers<[1], [1], [0], [0], [0, 0, 1, 0], [], []>, transpose_lhs_hint = false} : vector<256x128xbf16>, vector<128x128xbf16>, vector<256x128xf32> -> vector<256x128xf32>
    %get3A_473 = arith.constant 26 : index
    %get3A_474 = arith.constant 0 : index
    %get3A_475 = vector.load %arg3[%get3A_473, %get3A_474] : memref<64x128xf32, #tpu.memory_space<vmem>>, vector<1x128xf32>
    %get3A_476 = vector.shape_cast %get3A_475 : vector<1x128xf32> to vector<128xf32>
    %broadcast_in_dim3A_477 = vector.shape_cast %get3A_476 : vector<128xf32> to vector<1x128xf32>
    %add3A_478 = vector.broadcast %broadcast_in_dim3A_477 : vector<1x128xf32> to vector<256x128xf32>
    %add3A_479 = arith.addf %dot_general3A_472, %add3A_478 : vector<256x128xf32>
    %swap3A_480 = arith.constant 0 : index
    %swap3A_481 = arith.constant 3328 : index
    %swap3A_482 = vector.load %arg4[%swap3A_480, %swap3A_481] : memref<256x8192xf32, #tpu.memory_space<vmem>>, vector<256x128xf32>
    tpu.vector_store %arg4[%swap3A_480, %swap3A_481], %add3A_479 {strides = array<i32>} : memref<256x8192xf32, #tpu.memory_space<vmem>>, vector<256x128xf32>,
    %slice3A_483 = vector.extract_strided_slice %convert_element_type3A {offsets = [0, 3456], sizes = [256, 128], strides = [1, 1]} : vector<256x8192xbf16> to vector<256x128xbf16>
    %get3A_484 = arith.constant 27 : index
    %get3A_485 = arith.constant 0 : index
    %get3A_486 = arith.constant 0 : index
    %get3A_487 = vector.load %arg2[%get3A_484, %get3A_485, %get3A_486] : memref<64x128x128xbf16, #tpu.memory_space<vmem>>, vector<1x128x128xbf16>
    %get3A_488 = vector.shape_cast %get3A_487 : vector<1x128x128xbf16> to vector<128x128xbf16>
    %dot_general3A_489 = arith.constant dense<0.000000e+00> : vector<256x128xf32>
    %dot_general3A_490 = tpu.matmul %slice3A_483, %get3A_488, %dot_general3A_489 {dimension_numbers = #tpu.dot_dimension_numbers<[1], [1], [0], [0], [0, 0, 1, 0], [], []>, transpose_lhs_hint = false} : vector<256x128xbf16>, vector<128x128xbf16>, vector<256x128xf32> -> vector<256x128xf32>
    %get3A_491 = arith.constant 27 : index
    %get3A_492 = arith.constant 0 : index
    %get3A_493 = vector.load %arg3[%get3A_491, %get3A_492] : memref<64x128xf32, #tpu.memory_space<vmem>>, vector<1x128xf32>
    %get3A_494 = vector.shape_cast %get3A_493 : vector<1x128xf32> to vector<128xf32>
    %broadcast_in_dim3A_495 = vector.shape_cast %get3A_494 : vector<128xf32> to vector<1x128xf32>
    %add3A_496 = vector.broadcast %broadcast_in_dim3A_495 : vector<1x128xf32> to vector<256x128xf32>
    %add3A_497 = arith.addf %dot_general3A_490, %add3A_496 : vector<256x128xf32>
    %swap3A_498 = arith.constant 0 : index
    %swap3A_499 = arith.constant 3456 : index
    %swap3A_500 = vector.load %arg4[%swap3A_498, %swap3A_499] : memref<256x8192xf32, #tpu.memory_space<vmem>>, vector<256x128xf32>
    tpu.vector_store %arg4[%swap3A_498, %swap3A_499], %add3A_497 {strides = array<i32>} : memref<256x8192xf32, #tpu.memory_space<vmem>>, vector<256x128xf32>,
    %slice3A_501 = vector.extract_strided_slice %convert_element_type3A {offsets = [0, 3584], sizes = [256, 128], strides = [1, 1]} : vector<256x8192xbf16> to vector<256x128xbf16>
    %get3A_502 = arith.constant 28 : index
    %get3A_503 = arith.constant 0 : index
    %get3A_504 = arith.constant 0 : index
    %get3A_505 = vector.load %arg2[%get3A_502, %get3A_503, %get3A_504] : memref<64x128x128xbf16, #tpu.memory_space<vmem>>, vector<1x128x128xbf16>
    %get3A_506 = vector.shape_cast %get3A_505 : vector<1x128x128xbf16> to vector<128x128xbf16>
    %dot_general3A_507 = arith.constant dense<0.000000e+00> : vector<256x128xf32>
    %dot_general3A_508 = tpu.matmul %slice3A_501, %get3A_506, %dot_general3A_507 {dimension_numbers = #tpu.dot_dimension_numbers<[1], [1], [0], [0], [0, 0, 1, 0], [], []>, transpose_lhs_hint = false} : vector<256x128xbf16>, vector<128x128xbf16>, vector<256x128xf32> -> vector<256x128xf32>
    %get3A_509 = arith.constant 28 : index
    %get3A_510 = arith.constant 0 : index
    %get3A_511 = vector.load %arg3[%get3A_509, %get3A_510] : memref<64x128xf32, #tpu.memory_space<vmem>>, vector<1x128xf32>
    %get3A_512 = vector.shape_cast %get3A_511 : vector<1x128xf32> to vector<128xf32>
    %broadcast_in_dim3A_513 = vector.shape_cast %get3A_512 : vector<128xf32> to vector<1x128xf32>
    %add3A_514 = vector.broadcast %broadcast_in_dim3A_513 : vector<1x128xf32> to vector<256x128xf32>
    %add3A_515 = arith.addf %dot_general3A_508, %add3A_514 : vector<256x128xf32>
    %swap3A_516 = arith.constant 0 : index
    %swap3A_517 = arith.constant 3584 : index
    %swap3A_518 = vector.load %arg4[%swap3A_516, %swap3A_517] : memref<256x8192xf32, #tpu.memory_space<vmem>>, vector<256x128xf32>
    tpu.vector_store %arg4[%swap3A_516, %swap3A_517], %add3A_515 {strides = array<i32>} : memref<256x8192xf32, #tpu.memory_space<vmem>>, vector<256x128xf32>,
    %slice3A_519 = vector.extract_strided_slice %convert_element_type3A {offsets = [0, 3712], sizes = [256, 128], strides = [1, 1]} : vector<256x8192xbf16> to vector<256x128xbf16>
    %get3A_520 = arith.constant 29 : index
    %get3A_521 = arith.constant 0 : index
    %get3A_522 = arith.constant 0 : index
    %get3A_523 = vector.load %arg2[%get3A_520, %get3A_521, %get3A_522] : memref<64x128x128xbf16, #tpu.memory_space<vmem>>, vector<1x128x128xbf16>
    %get3A_524 = vector.shape_cast %get3A_523 : vector<1x128x128xbf16> to vector<128x128xbf16>
    %dot_general3A_525 = arith.constant dense<0.000000e+00> : vector<256x128xf32>
    %dot_general3A_526 = tpu.matmul %slice3A_519, %get3A_524, %dot_general3A_525 {dimension_numbers = #tpu.dot_dimension_numbers<[1], [1], [0], [0], [0, 0, 1, 0], [], []>, transpose_lhs_hint = false} : vector<256x128xbf16>, vector<128x128xbf16>, vector<256x128xf32> -> vector<256x128xf32>
    %get3A_527 = arith.constant 29 : index
    %get3A_528 = arith.constant 0 : index
    %get3A_529 = vector.load %arg3[%get3A_527, %get3A_528] : memref<64x128xf32, #tpu.memory_space<vmem>>, vector<1x128xf32>
    %get3A_530 = vector.shape_cast %get3A_529 : vector<1x128xf32> to vector<128xf32>
    %broadcast_in_dim3A_531 = vector.shape_cast %get3A_530 : vector<128xf32> to vector<1x128xf32>
    %add3A_532 = vector.broadcast %broadcast_in_dim3A_531 : vector<1x128xf32> to vector<256x128xf32>
    %add3A_533 = arith.addf %dot_general3A_526, %add3A_532 : vector<256x128xf32>
    %swap3A_534 = arith.constant 0 : index
    %swap3A_535 = arith.constant 3712 : index
    %swap3A_536 = vector.load %arg4[%swap3A_534, %swap3A_535] : memref<256x8192xf32, #tpu.memory_space<vmem>>, vector<256x128xf32>
    tpu.vector_store %arg4[%swap3A_534, %swap3A_535], %add3A_533 {strides = array<i32>} : memref<256x8192xf32, #tpu.memory_space<vmem>>, vector<256x128xf32>,
    %slice3A_537 = vector.extract_strided_slice %convert_element_type3A {offsets = [0, 3840], sizes = [256, 128], strides = [1, 1]} : vector<256x8192xbf16> to vector<256x128xbf16>
    %get3A_538 = arith.constant 30 : index
    %get3A_539 = arith.constant 0 : index
    %get3A_540 = arith.constant 0 : index
    %get3A_541 = vector.load %arg2[%get3A_538, %get3A_539, %get3A_540] : memref<64x128x128xbf16, #tpu.memory_space<vmem>>, vector<1x128x128xbf16>
    %get3A_542 = vector.shape_cast %get3A_541 : vector<1x128x128xbf16> to vector<128x128xbf16>
    %dot_general3A_543 = arith.constant dense<0.000000e+00> : vector<256x128xf32>
    %dot_general3A_544 = tpu.matmul %slice3A_537, %get3A_542, %dot_general3A_543 {dimension_numbers = #tpu.dot_dimension_numbers<[1], [1], [0], [0], [0, 0, 1, 0], [], []>, transpose_lhs_hint = false} : vector<256x128xbf16>, vector<128x128xbf16>, vector<256x128xf32> -> vector<256x128xf32>
    %get3A_545 = arith.constant 30 : index
    %get3A_546 = arith.constant 0 : index
    %get3A_547 = vector.load %arg3[%get3A_545, %get3A_546] : memref<64x128xf32, #tpu.memory_space<vmem>>, vector<1x128xf32>
    %get3A_548 = vector.shape_cast %get3A_547 : vector<1x128xf32> to vector<128xf32>
    %broadcast_in_dim3A_549 = vector.shape_cast %get3A_548 : vector<128xf32> to vector<1x128xf32>
    %add3A_550 = vector.broadcast %broadcast_in_dim3A_549 : vector<1x128xf32> to vector<256x128xf32>
    %add3A_551 = arith.addf %dot_general3A_544, %add3A_550 : vector<256x128xf32>
    %swap3A_552 = arith.constant 0 : index
    %swap3A_553 = arith.constant 3840 : index
    %swap3A_554 = vector.load %arg4[%swap3A_552, %swap3A_553] : memref<256x8192xf32, #tpu.memory_space<vmem>>, vector<256x128xf32>
    tpu.vector_store %arg4[%swap3A_552, %swap3A_553], %add3A_551 {strides = array<i32>} : memref<256x8192xf32, #tpu.memory_space<vmem>>, vector<256x128xf32>,
    %slice3A_555 = vector.extract_strided_slice %convert_element_type3A {offsets = [0, 3968], sizes = [256, 128], strides = [1, 1]} : vector<256x8192xbf16> to vector<256x128xbf16>
    %get3A_556 = arith.constant 31 : index
    %get3A_557 = arith.constant 0 : index
    %get3A_558 = arith.constant 0 : index
    %get3A_559 = vector.load %arg2[%get3A_556, %get3A_557, %get3A_558] : memref<64x128x128xbf16, #tpu.memory_space<vmem>>, vector<1x128x128xbf16>
    %get3A_560 = vector.shape_cast %get3A_559 : vector<1x128x128xbf16> to vector<128x128xbf16>
    %dot_general3A_561 = arith.constant dense<0.000000e+00> : vector<256x128xf32>
    %dot_general3A_562 = tpu.matmul %slice3A_555, %get3A_560, %dot_general3A_561 {dimension_numbers = #tpu.dot_dimension_numbers<[1], [1], [0], [0], [0, 0, 1, 0], [], []>, transpose_lhs_hint = false} : vector<256x128xbf16>, vector<128x128xbf16>, vector<256x128xf32> -> vector<256x128xf32>
    %get3A_563 = arith.constant 31 : index
    %get3A_564 = arith.constant 0 : index
    %get3A_565 = vector.load %arg3[%get3A_563, %get3A_564] : memref<64x128xf32, #tpu.memory_space<vmem>>, vector<1x128xf32>
    %get3A_566 = vector.shape_cast %get3A_565 : vector<1x128xf32> to vector<128xf32>
    %broadcast_in_dim3A_567 = vector.shape_cast %get3A_566 : vector<128xf32> to vector<1x128xf32>
    %add3A_568 = vector.broadcast %broadcast_in_dim3A_567 : vector<1x128xf32> to vector<256x128xf32>
    %add3A_569 = arith.addf %dot_general3A_562, %add3A_568 : vector<256x128xf32>
    %swap3A_570 = arith.constant 0 : index
    %swap3A_571 = arith.constant 3968 : index
    %swap3A_572 = vector.load %arg4[%swap3A_570, %swap3A_571] : memref<256x8192xf32, #tpu.memory_space<vmem>>, vector<256x128xf32>
    tpu.vector_store %arg4[%swap3A_570, %swap3A_571], %add3A_569 {strides = array<i32>} : memref<256x8192xf32, #tpu.memory_space<vmem>>, vector<256x128xf32>,
    %slice3A_573 = vector.extract_strided_slice %convert_element_type3A {offsets = [0, 4096], sizes = [256, 128], strides = [1, 1]} : vector<256x8192xbf16> to vector<256x128xbf16>
    %get3A_574 = arith.constant 32 : index
    %get3A_575 = arith.constant 0 : index
    %get3A_576 = arith.constant 0 : index
    %get3A_577 = vector.load %arg2[%get3A_574, %get3A_575, %get3A_576] : memref<64x128x128xbf16, #tpu.memory_space<vmem>>, vector<1x128x128xbf16>
    %get3A_578 = vector.shape_cast %get3A_577 : vector<1x128x128xbf16> to vector<128x128xbf16>
    %dot_general3A_579 = arith.constant dense<0.000000e+00> : vector<256x128xf32>
    %dot_general3A_580 = tpu.matmul %slice3A_573, %get3A_578, %dot_general3A_579 {dimension_numbers = #tpu.dot_dimension_numbers<[1], [1], [0], [0], [0, 0, 1, 0], [], []>, transpose_lhs_hint = false} : vector<256x128xbf16>, vector<128x128xbf16>, vector<256x128xf32> -> vector<256x128xf32>
    %get3A_581 = arith.constant 32 : index
    %get3A_582 = arith.constant 0 : index
    %get3A_583 = vector.load %arg3[%get3A_581, %get3A_582] : memref<64x128xf32, #tpu.memory_space<vmem>>, vector<1x128xf32>
    %get3A_584 = vector.shape_cast %get3A_583 : vector<1x128xf32> to vector<128xf32>
    %broadcast_in_dim3A_585 = vector.shape_cast %get3A_584 : vector<128xf32> to vector<1x128xf32>
    %add3A_586 = vector.broadcast %broadcast_in_dim3A_585 : vector<1x128xf32> to vector<256x128xf32>
    %add3A_587 = arith.addf %dot_general3A_580, %add3A_586 : vector<256x128xf32>
    %swap3A_588 = arith.constant 0 : index
    %swap3A_589 = arith.constant 4096 : index
    %swap3A_590 = vector.load %arg4[%swap3A_588, %swap3A_589] : memref<256x8192xf32, #tpu.memory_space<vmem>>, vector<256x128xf32>
    tpu.vector_store %arg4[%swap3A_588, %swap3A_589], %add3A_587 {strides = array<i32>} : memref<256x8192xf32, #tpu.memory_space<vmem>>, vector<256x128xf32>,
    %slice3A_591 = vector.extract_strided_slice %convert_element_type3A {offsets = [0, 4224], sizes = [256, 128], strides = [1, 1]} : vector<256x8192xbf16> to vector<256x128xbf16>
    %get3A_592 = arith.constant 33 : index
    %get3A_593 = arith.constant 0 : index
    %get3A_594 = arith.constant 0 : index
    %get3A_595 = vector.load %arg2[%get3A_592, %get3A_593, %get3A_594] : memref<64x128x128xbf16, #tpu.memory_space<vmem>>, vector<1x128x128xbf16>
    %get3A_596 = vector.shape_cast %get3A_595 : vector<1x128x128xbf16> to vector<128x128xbf16>
    %dot_general3A_597 = arith.constant dense<0.000000e+00> : vector<256x128xf32>
    %dot_general3A_598 = tpu.matmul %slice3A_591, %get3A_596, %dot_general3A_597 {dimension_numbers = #tpu.dot_dimension_numbers<[1], [1], [0], [0], [0, 0, 1, 0], [], []>, transpose_lhs_hint = false} : vector<256x128xbf16>, vector<128x128xbf16>, vector<256x128xf32> -> vector<256x128xf32>
    %get3A_599 = arith.constant 33 : index
    %get3A_600 = arith.constant 0 : index
    %get3A_601 = vector.load %arg3[%get3A_599, %get3A_600] : memref<64x128xf32, #tpu.memory_space<vmem>>, vector<1x128xf32>
    %get3A_602 = vector.shape_cast %get3A_601 : vector<1x128xf32> to vector<128xf32>
    %broadcast_in_dim3A_603 = vector.shape_cast %get3A_602 : vector<128xf32> to vector<1x128xf32>
    %add3A_604 = vector.broadcast %broadcast_in_dim3A_603 : vector<1x128xf32> to vector<256x128xf32>
    %add3A_605 = arith.addf %dot_general3A_598, %add3A_604 : vector<256x128xf32>
    %swap3A_606 = arith.constant 0 : index
    %swap3A_607 = arith.constant 4224 : index
    %swap3A_608 = vector.load %arg4[%swap3A_606, %swap3A_607] : memref<256x8192xf32, #tpu.memory_space<vmem>>, vector<256x128xf32>
    tpu.vector_store %arg4[%swap3A_606, %swap3A_607], %add3A_605 {strides = array<i32>} : memref<256x8192xf32, #tpu.memory_space<vmem>>, vector<256x128xf32>,
    %slice3A_609 = vector.extract_strided_slice %convert_element_type3A {offsets = [0, 4352], sizes = [256, 128], strides = [1, 1]} : vector<256x8192xbf16> to vector<256x128xbf16>
    %get3A_610 = arith.constant 34 : index
    %get3A_611 = arith.constant 0 : index
    %get3A_612 = arith.constant 0 : index
    %get3A_613 = vector.load %arg2[%get3A_610, %get3A_611, %get3A_612] : memref<64x128x128xbf16, #tpu.memory_space<vmem>>, vector<1x128x128xbf16>
    %get3A_614 = vector.shape_cast %get3A_613 : vector<1x128x128xbf16> to vector<128x128xbf16>
    %dot_general3A_615 = arith.constant dense<0.000000e+00> : vector<256x128xf32>
    %dot_general3A_616 = tpu.matmul %slice3A_609, %get3A_614, %dot_general3A_615 {dimension_numbers = #tpu.dot_dimension_numbers<[1], [1], [0], [0], [0, 0, 1, 0], [], []>, transpose_lhs_hint = false} : vector<256x128xbf16>, vector<128x128xbf16>, vector<256x128xf32> -> vector<256x128xf32>
    %get3A_617 = arith.constant 34 : index
    %get3A_618 = arith.constant 0 : index
    %get3A_619 = vector.load %arg3[%get3A_617, %get3A_618] : memref<64x128xf32, #tpu.memory_space<vmem>>, vector<1x128xf32>
    %get3A_620 = vector.shape_cast %get3A_619 : vector<1x128xf32> to vector<128xf32>
    %broadcast_in_dim3A_621 = vector.shape_cast %get3A_620 : vector<128xf32> to vector<1x128xf32>
    %add3A_622 = vector.broadcast %broadcast_in_dim3A_621 : vector<1x128xf32> to vector<256x128xf32>
    %add3A_623 = arith.addf %dot_general3A_616, %add3A_622 : vector<256x128xf32>
    %swap3A_624 = arith.constant 0 : index
    %swap3A_625 = arith.constant 4352 : index
    %swap3A_626 = vector.load %arg4[%swap3A_624, %swap3A_625] : memref<256x8192xf32, #tpu.memory_space<vmem>>, vector<256x128xf32>
    tpu.vector_store %arg4[%swap3A_624, %swap3A_625], %add3A_623 {strides = array<i32>} : memref<256x8192xf32, #tpu.memory_space<vmem>>, vector<256x128xf32>,
    %slice3A_627 = vector.extract_strided_slice %convert_element_type3A {offsets = [0, 4480], sizes = [256, 128], strides = [1, 1]} : vector<256x8192xbf16> to vector<256x128xbf16>
    %get3A_628 = arith.constant 35 : index
    %get3A_629 = arith.constant 0 : index
    %get3A_630 = arith.constant 0 : index
    %get3A_631 = vector.load %arg2[%get3A_628, %get3A_629, %get3A_630] : memref<64x128x128xbf16, #tpu.memory_space<vmem>>, vector<1x128x128xbf16>
    %get3A_632 = vector.shape_cast %get3A_631 : vector<1x128x128xbf16> to vector<128x128xbf16>
    %dot_general3A_633 = arith.constant dense<0.000000e+00> : vector<256x128xf32>
    %dot_general3A_634 = tpu.matmul %slice3A_627, %get3A_632, %dot_general3A_633 {dimension_numbers = #tpu.dot_dimension_numbers<[1], [1], [0], [0], [0, 0, 1, 0], [], []>, transpose_lhs_hint = false} : vector<256x128xbf16>, vector<128x128xbf16>, vector<256x128xf32> -> vector<256x128xf32>
    %get3A_635 = arith.constant 35 : index
    %get3A_636 = arith.constant 0 : index
    %get3A_637 = vector.load %arg3[%get3A_635, %get3A_636] : memref<64x128xf32, #tpu.memory_space<vmem>>, vector<1x128xf32>
    %get3A_638 = vector.shape_cast %get3A_637 : vector<1x128xf32> to vector<128xf32>
    %broadcast_in_dim3A_639 = vector.shape_cast %get3A_638 : vector<128xf32> to vector<1x128xf32>
    %add3A_640 = vector.broadcast %broadcast_in_dim3A_639 : vector<1x128xf32> to vector<256x128xf32>
    %add3A_641 = arith.addf %dot_general3A_634, %add3A_640 : vector<256x128xf32>
    %swap3A_642 = arith.constant 0 : index
    %swap3A_643 = arith.constant 4480 : index
    %swap3A_644 = vector.load %arg4[%swap3A_642, %swap3A_643] : memref<256x8192xf32, #tpu.memory_space<vmem>>, vector<256x128xf32>
    tpu.vector_store %arg4[%swap3A_642, %swap3A_643], %add3A_641 {strides = array<i32>} : memref<256x8192xf32, #tpu.memory_space<vmem>>, vector<256x128xf32>,
    %slice3A_645 = vector.extract_strided_slice %convert_element_type3A {offsets = [0, 4608], sizes = [256, 128], strides = [1, 1]} : vector<256x8192xbf16> to vector<256x128xbf16>
    %get3A_646 = arith.constant 36 : index
    %get3A_647 = arith.constant 0 : index
    %get3A_648 = arith.constant 0 : index
    %get3A_649 = vector.load %arg2[%get3A_646, %get3A_647, %get3A_648] : memref<64x128x128xbf16, #tpu.memory_space<vmem>>, vector<1x128x128xbf16>
    %get3A_650 = vector.shape_cast %get3A_649 : vector<1x128x128xbf16> to vector<128x128xbf16>
    %dot_general3A_651 = arith.constant dense<0.000000e+00> : vector<256x128xf32>
    %dot_general3A_652 = tpu.matmul %slice3A_645, %get3A_650, %dot_general3A_651 {dimension_numbers = #tpu.dot_dimension_numbers<[1], [1], [0], [0], [0, 0, 1, 0], [], []>, transpose_lhs_hint = false} : vector<256x128xbf16>, vector<128x128xbf16>, vector<256x128xf32> -> vector<256x128xf32>
    %get3A_653 = arith.constant 36 : index
    %get3A_654 = arith.constant 0 : index
    %get3A_655 = vector.load %arg3[%get3A_653, %get3A_654] : memref<64x128xf32, #tpu.memory_space<vmem>>, vector<1x128xf32>
    %get3A_656 = vector.shape_cast %get3A_655 : vector<1x128xf32> to vector<128xf32>
    %broadcast_in_dim3A_657 = vector.shape_cast %get3A_656 : vector<128xf32> to vector<1x128xf32>
    %add3A_658 = vector.broadcast %broadcast_in_dim3A_657 : vector<1x128xf32> to vector<256x128xf32>
    %add3A_659 = arith.addf %dot_general3A_652, %add3A_658 : vector<256x128xf32>
    %swap3A_660 = arith.constant 0 : index
    %swap3A_661 = arith.constant 4608 : index
    %swap3A_662 = vector.load %arg4[%swap3A_660, %swap3A_661] : memref<256x8192xf32, #tpu.memory_space<vmem>>, vector<256x128xf32>
    tpu.vector_store %arg4[%swap3A_660, %swap3A_661], %add3A_659 {strides = array<i32>} : memref<256x8192xf32, #tpu.memory_space<vmem>>, vector<256x128xf32>,
    %slice3A_663 = vector.extract_strided_slice %convert_element_type3A {offsets = [0, 4736], sizes = [256, 128], strides = [1, 1]} : vector<256x8192xbf16> to vector<256x128xbf16>
    %get3A_664 = arith.constant 37 : index
    %get3A_665 = arith.constant 0 : index
    %get3A_666 = arith.constant 0 : index
    %get3A_667 = vector.load %arg2[%get3A_664, %get3A_665, %get3A_666] : memref<64x128x128xbf16, #tpu.memory_space<vmem>>, vector<1x128x128xbf16>
    %get3A_668 = vector.shape_cast %get3A_667 : vector<1x128x128xbf16> to vector<128x128xbf16>
    %dot_general3A_669 = arith.constant dense<0.000000e+00> : vector<256x128xf32>
    %dot_general3A_670 = tpu.matmul %slice3A_663, %get3A_668, %dot_general3A_669 {dimension_numbers = #tpu.dot_dimension_numbers<[1], [1], [0], [0], [0, 0, 1, 0], [], []>, transpose_lhs_hint = false} : vector<256x128xbf16>, vector<128x128xbf16>, vector<256x128xf32> -> vector<256x128xf32>
    %get3A_671 = arith.constant 37 : index
    %get3A_672 = arith.constant 0 : index
    %get3A_673 = vector.load %arg3[%get3A_671, %get3A_672] : memref<64x128xf32, #tpu.memory_space<vmem>>, vector<1x128xf32>
    %get3A_674 = vector.shape_cast %get3A_673 : vector<1x128xf32> to vector<128xf32>
    %broadcast_in_dim3A_675 = vector.shape_cast %get3A_674 : vector<128xf32> to vector<1x128xf32>
    %add3A_676 = vector.broadcast %broadcast_in_dim3A_675 : vector<1x128xf32> to vector<256x128xf32>
    %add3A_677 = arith.addf %dot_general3A_670, %add3A_676 : vector<256x128xf32>
    %swap3A_678 = arith.constant 0 : index
    %swap3A_679 = arith.constant 4736 : index
    %swap3A_680 = vector.load %arg4[%swap3A_678, %swap3A_679] : memref<256x8192xf32, #tpu.memory_space<vmem>>, vector<256x128xf32>
    tpu.vector_store %arg4[%swap3A_678, %swap3A_679], %add3A_677 {strides = array<i32>} : memref<256x8192xf32, #tpu.memory_space<vmem>>, vector<256x128xf32>,
    %slice3A_681 = vector.extract_strided_slice %convert_element_type3A {offsets = [0, 4864], sizes = [256, 128], strides = [1, 1]} : vector<256x8192xbf16> to vector<256x128xbf16>
    %get3A_682 = arith.constant 38 : index
    %get3A_683 = arith.constant 0 : index
    %get3A_684 = arith.constant 0 : index
    %get3A_685 = vector.load %arg2[%get3A_682, %get3A_683, %get3A_684] : memref<64x128x128xbf16, #tpu.memory_space<vmem>>, vector<1x128x128xbf16>
    %get3A_686 = vector.shape_cast %get3A_685 : vector<1x128x128xbf16> to vector<128x128xbf16>
    %dot_general3A_687 = arith.constant dense<0.000000e+00> : vector<256x128xf32>
    %dot_general3A_688 = tpu.matmul %slice3A_681, %get3A_686, %dot_general3A_687 {dimension_numbers = #tpu.dot_dimension_numbers<[1], [1], [0], [0], [0, 0, 1, 0], [], []>, transpose_lhs_hint = false} : vector<256x128xbf16>, vector<128x128xbf16>, vector<256x128xf32> -> vector<256x128xf32>
    %get3A_689 = arith.constant 38 : index
    %get3A_690 = arith.constant 0 : index
    %get3A_691 = vector.load %arg3[%get3A_689, %get3A_690] : memref<64x128xf32, #tpu.memory_space<vmem>>, vector<1x128xf32>
    %get3A_692 = vector.shape_cast %get3A_691 : vector<1x128xf32> to vector<128xf32>
    %broadcast_in_dim3A_693 = vector.shape_cast %get3A_692 : vector<128xf32> to vector<1x128xf32>
    %add3A_694 = vector.broadcast %broadcast_in_dim3A_693 : vector<1x128xf32> to vector<256x128xf32>
    %add3A_695 = arith.addf %dot_general3A_688, %add3A_694 : vector<256x128xf32>
    %swap3A_696 = arith.constant 0 : index
    %swap3A_697 = arith.constant 4864 : index
    %swap3A_698 = vector.load %arg4[%swap3A_696, %swap3A_697] : memref<256x8192xf32, #tpu.memory_space<vmem>>, vector<256x128xf32>
    tpu.vector_store %arg4[%swap3A_696, %swap3A_697], %add3A_695 {strides = array<i32>} : memref<256x8192xf32, #tpu.memory_space<vmem>>, vector<256x128xf32>,
    %slice3A_699 = vector.extract_strided_slice %convert_element_type3A {offsets = [0, 4992], sizes = [256, 128], strides = [1, 1]} : vector<256x8192xbf16> to vector<256x128xbf16>
    %get3A_700 = arith.constant 39 : index
    %get3A_701 = arith.constant 0 : index
    %get3A_702 = arith.constant 0 : index
    %get3A_703 = vector.load %arg2[%get3A_700, %get3A_701, %get3A_702] : memref<64x128x128xbf16, #tpu.memory_space<vmem>>, vector<1x128x128xbf16>
    %get3A_704 = vector.shape_cast %get3A_703 : vector<1x128x128xbf16> to vector<128x128xbf16>
    %dot_general3A_705 = arith.constant dense<0.000000e+00> : vector<256x128xf32>
    %dot_general3A_706 = tpu.matmul %slice3A_699, %get3A_704, %dot_general3A_705 {dimension_numbers = #tpu.dot_dimension_numbers<[1], [1], [0], [0], [0, 0, 1, 0], [], []>, transpose_lhs_hint = false} : vector<256x128xbf16>, vector<128x128xbf16>, vector<256x128xf32> -> vector<256x128xf32>
    %get3A_707 = arith.constant 39 : index
    %get3A_708 = arith.constant 0 : index
    %get3A_709 = vector.load %arg3[%get3A_707, %get3A_708] : memref<64x128xf32, #tpu.memory_space<vmem>>, vector<1x128xf32>
    %get3A_710 = vector.shape_cast %get3A_709 : vector<1x128xf32> to vector<128xf32>
    %broadcast_in_dim3A_711 = vector.shape_cast %get3A_710 : vector<128xf32> to vector<1x128xf32>
    %add3A_712 = vector.broadcast %broadcast_in_dim3A_711 : vector<1x128xf32> to vector<256x128xf32>
    %add3A_713 = arith.addf %dot_general3A_706, %add3A_712 : vector<256x128xf32>
    %swap3A_714 = arith.constant 0 : index
    %swap3A_715 = arith.constant 4992 : index
    %swap3A_716 = vector.load %arg4[%swap3A_714, %swap3A_715] : memref<256x8192xf32, #tpu.memory_space<vmem>>, vector<256x128xf32>
    tpu.vector_store %arg4[%swap3A_714, %swap3A_715], %add3A_713 {strides = array<i32>} : memref<256x8192xf32, #tpu.memory_space<vmem>>, vector<256x128xf32>,
    %slice3A_717 = vector.extract_strided_slice %convert_element_type3A {offsets = [0, 5120], sizes = [256, 128], strides = [1, 1]} : vector<256x8192xbf16> to vector<256x128xbf16>
    %get3A_718 = arith.constant 40 : index
    %get3A_719 = arith.constant 0 : index
    %get3A_720 = arith.constant 0 : index
    %get3A_721 = vector.load %arg2[%get3A_718, %get3A_719, %get3A_720] : memref<64x128x128xbf16, #tpu.memory_space<vmem>>, vector<1x128x128xbf16>
    %get3A_722 = vector.shape_cast %get3A_721 : vector<1x128x128xbf16> to vector<128x128xbf16>
    %dot_general3A_723 = arith.constant dense<0.000000e+00> : vector<256x128xf32>
    %dot_general3A_724 = tpu.matmul %slice3A_717, %get3A_722, %dot_general3A_723 {dimension_numbers = #tpu.dot_dimension_numbers<[1], [1], [0], [0], [0, 0, 1, 0], [], []>, transpose_lhs_hint = false} : vector<256x128xbf16>, vector<128x128xbf16>, vector<256x128xf32> -> vector<256x128xf32>
    %get3A_725 = arith.constant 40 : index
    %get3A_726 = arith.constant 0 : index
    %get3A_727 = vector.load %arg3[%get3A_725, %get3A_726] : memref<64x128xf32, #tpu.memory_space<vmem>>, vector<1x128xf32>
    %get3A_728 = vector.shape_cast %get3A_727 : vector<1x128xf32> to vector<128xf32>
    %broadcast_in_dim3A_729 = vector.shape_cast %get3A_728 : vector<128xf32> to vector<1x128xf32>
    %add3A_730 = vector.broadcast %broadcast_in_dim3A_729 : vector<1x128xf32> to vector<256x128xf32>
    %add3A_731 = arith.addf %dot_general3A_724, %add3A_730 : vector<256x128xf32>
    %swap3A_732 = arith.constant 0 : index
    %swap3A_733 = arith.constant 5120 : index
    %swap3A_734 = vector.load %arg4[%swap3A_732, %swap3A_733] : memref<256x8192xf32, #tpu.memory_space<vmem>>, vector<256x128xf32>
    tpu.vector_store %arg4[%swap3A_732, %swap3A_733], %add3A_731 {strides = array<i32>} : memref<256x8192xf32, #tpu.memory_space<vmem>>, vector<256x128xf32>,
    %slice3A_735 = vector.extract_strided_slice %convert_element_type3A {offsets = [0, 5248], sizes = [256, 128], strides = [1, 1]} : vector<256x8192xbf16> to vector<256x128xbf16>
    %get3A_736 = arith.constant 41 : index
    %get3A_737 = arith.constant 0 : index
    %get3A_738 = arith.constant 0 : index
    %get3A_739 = vector.load %arg2[%get3A_736, %get3A_737, %get3A_738] : memref<64x128x128xbf16, #tpu.memory_space<vmem>>, vector<1x128x128xbf16>
    %get3A_740 = vector.shape_cast %get3A_739 : vector<1x128x128xbf16> to vector<128x128xbf16>
    %dot_general3A_741 = arith.constant dense<0.000000e+00> : vector<256x128xf32>
    %dot_general3A_742 = tpu.matmul %slice3A_735, %get3A_740, %dot_general3A_741 {dimension_numbers = #tpu.dot_dimension_numbers<[1], [1], [0], [0], [0, 0, 1, 0], [], []>, transpose_lhs_hint = false} : vector<256x128xbf16>, vector<128x128xbf16>, vector<256x128xf32> -> vector<256x128xf32>
    %get3A_743 = arith.constant 41 : index
    %get3A_744 = arith.constant 0 : index
    %get3A_745 = vector.load %arg3[%get3A_743, %get3A_744] : memref<64x128xf32, #tpu.memory_space<vmem>>, vector<1x128xf32>
    %get3A_746 = vector.shape_cast %get3A_745 : vector<1x128xf32> to vector<128xf32>
    %broadcast_in_dim3A_747 = vector.shape_cast %get3A_746 : vector<128xf32> to vector<1x128xf32>
    %add3A_748 = vector.broadcast %broadcast_in_dim3A_747 : vector<1x128xf32> to vector<256x128xf32>
    %add3A_749 = arith.addf %dot_general3A_742, %add3A_748 : vector<256x128xf32>
    %swap3A_750 = arith.constant 0 : index
    %swap3A_751 = arith.constant 5248 : index
    %swap3A_752 = vector.load %arg4[%swap3A_750, %swap3A_751] : memref<256x8192xf32, #tpu.memory_space<vmem>>, vector<256x128xf32>
    tpu.vector_store %arg4[%swap3A_750, %swap3A_751], %add3A_749 {strides = array<i32>} : memref<256x8192xf32, #tpu.memory_space<vmem>>, vector<256x128xf32>,
    %slice3A_753 = vector.extract_strided_slice %convert_element_type3A {offsets = [0, 5376], sizes = [256, 128], strides = [1, 1]} : vector<256x8192xbf16> to vector<256x128xbf16>
    %get3A_754 = arith.constant 42 : index
    %get3A_755 = arith.constant 0 : index
    %get3A_756 = arith.constant 0 : index
    %get3A_757 = vector.load %arg2[%get3A_754, %get3A_755, %get3A_756] : memref<64x128x128xbf16, #tpu.memory_space<vmem>>, vector<1x128x128xbf16>
    %get3A_758 = vector.shape_cast %get3A_757 : vector<1x128x128xbf16> to vector<128x128xbf16>
    %dot_general3A_759 = arith.constant dense<0.000000e+00> : vector<256x128xf32>
    %dot_general3A_760 = tpu.matmul %slice3A_753, %get3A_758, %dot_general3A_759 {dimension_numbers = #tpu.dot_dimension_numbers<[1], [1], [0], [0], [0, 0, 1, 0], [], []>, transpose_lhs_hint = false} : vector<256x128xbf16>, vector<128x128xbf16>, vector<256x128xf32> -> vector<256x128xf32>
    %get3A_761 = arith.constant 42 : index
    %get3A_762 = arith.constant 0 : index
    %get3A_763 = vector.load %arg3[%get3A_761, %get3A_762] : memref<64x128xf32, #tpu.memory_space<vmem>>, vector<1x128xf32>
    %get3A_764 = vector.shape_cast %get3A_763 : vector<1x128xf32> to vector<128xf32>
    %broadcast_in_dim3A_765 = vector.shape_cast %get3A_764 : vector<128xf32> to vector<1x128xf32>
    %add3A_766 = vector.broadcast %broadcast_in_dim3A_765 : vector<1x128xf32> to vector<256x128xf32>
    %add3A_767 = arith.addf %dot_general3A_760, %add3A_766 : vector<256x128xf32>
    %swap3A_768 = arith.constant 0 : index
    %swap3A_769 = arith.constant 5376 : index
    %swap3A_770 = vector.load %arg4[%swap3A_768, %swap3A_769] : memref<256x8192xf32, #tpu.memory_space<vmem>>, vector<256x128xf32>
    tpu.vector_store %arg4[%swap3A_768, %swap3A_769], %add3A_767 {strides = array<i32>} : memref<256x8192xf32, #tpu.memory_space<vmem>>, vector<256x128xf32>,
    %slice3A_771 = vector.extract_strided_slice %convert_element_type3A {offsets = [0, 5504], sizes = [256, 128], strides = [1, 1]} : vector<256x8192xbf16> to vector<256x128xbf16>
    %get3A_772 = arith.constant 43 : index
    %get3A_773 = arith.constant 0 : index
    %get3A_774 = arith.constant 0 : index
    %get3A_775 = vector.load %arg2[%get3A_772, %get3A_773, %get3A_774] : memref<64x128x128xbf16, #tpu.memory_space<vmem>>, vector<1x128x128xbf16>
    %get3A_776 = vector.shape_cast %get3A_775 : vector<1x128x128xbf16> to vector<128x128xbf16>
    %dot_general3A_777 = arith.constant dense<0.000000e+00> : vector<256x128xf32>
    %dot_general3A_778 = tpu.matmul %slice3A_771, %get3A_776, %dot_general3A_777 {dimension_numbers = #tpu.dot_dimension_numbers<[1], [1], [0], [0], [0, 0, 1, 0], [], []>, transpose_lhs_hint = false} : vector<256x128xbf16>, vector<128x128xbf16>, vector<256x128xf32> -> vector<256x128xf32>
    %get3A_779 = arith.constant 43 : index
    %get3A_780 = arith.constant 0 : index
    %get3A_781 = vector.load %arg3[%get3A_779, %get3A_780] : memref<64x128xf32, #tpu.memory_space<vmem>>, vector<1x128xf32>
    %get3A_782 = vector.shape_cast %get3A_781 : vector<1x128xf32> to vector<128xf32>
    %broadcast_in_dim3A_783 = vector.shape_cast %get3A_782 : vector<128xf32> to vector<1x128xf32>
    %add3A_784 = vector.broadcast %broadcast_in_dim3A_783 : vector<1x128xf32> to vector<256x128xf32>
    %add3A_785 = arith.addf %dot_general3A_778, %add3A_784 : vector<256x128xf32>
    %swap3A_786 = arith.constant 0 : index
    %swap3A_787 = arith.constant 5504 : index
    %swap3A_788 = vector.load %arg4[%swap3A_786, %swap3A_787] : memref<256x8192xf32, #tpu.memory_space<vmem>>, vector<256x128xf32>
    tpu.vector_store %arg4[%swap3A_786, %swap3A_787], %add3A_785 {strides = array<i32>} : memref<256x8192xf32, #tpu.memory_space<vmem>>, vector<256x128xf32>,
    %slice3A_789 = vector.extract_strided_slice %convert_element_type3A {offsets = [0, 5632], sizes = [256, 128], strides = [1, 1]} : vector<256x8192xbf16> to vector<256x128xbf16>
    %get3A_790 = arith.constant 44 : index
    %get3A_791 = arith.constant 0 : index
    %get3A_792 = arith.constant 0 : index
    %get3A_793 = vector.load %arg2[%get3A_790, %get3A_791, %get3A_792] : memref<64x128x128xbf16, #tpu.memory_space<vmem>>, vector<1x128x128xbf16>
    %get3A_794 = vector.shape_cast %get3A_793 : vector<1x128x128xbf16> to vector<128x128xbf16>
    %dot_general3A_795 = arith.constant dense<0.000000e+00> : vector<256x128xf32>
    %dot_general3A_796 = tpu.matmul %slice3A_789, %get3A_794, %dot_general3A_795 {dimension_numbers = #tpu.dot_dimension_numbers<[1], [1], [0], [0], [0, 0, 1, 0], [], []>, transpose_lhs_hint = false} : vector<256x128xbf16>, vector<128x128xbf16>, vector<256x128xf32> -> vector<256x128xf32>
    %get3A_797 = arith.constant 44 : index
    %get3A_798 = arith.constant 0 : index
    %get3A_799 = vector.load %arg3[%get3A_797, %get3A_798] : memref<64x128xf32, #tpu.memory_space<vmem>>, vector<1x128xf32>
    %get3A_800 = vector.shape_cast %get3A_799 : vector<1x128xf32> to vector<128xf32>
    %broadcast_in_dim3A_801 = vector.shape_cast %get3A_800 : vector<128xf32> to vector<1x128xf32>
    %add3A_802 = vector.broadcast %broadcast_in_dim3A_801 : vector<1x128xf32> to vector<256x128xf32>
    %add3A_803 = arith.addf %dot_general3A_796, %add3A_802 : vector<256x128xf32>
    %swap3A_804 = arith.constant 0 : index
    %swap3A_805 = arith.constant 5632 : index
    %swap3A_806 = vector.load %arg4[%swap3A_804, %swap3A_805] : memref<256x8192xf32, #tpu.memory_space<vmem>>, vector<256x128xf32>
    tpu.vector_store %arg4[%swap3A_804, %swap3A_805], %add3A_803 {strides = array<i32>} : memref<256x8192xf32, #tpu.memory_space<vmem>>, vector<256x128xf32>,
    %slice3A_807 = vector.extract_strided_slice %convert_element_type3A {offsets = [0, 5760], sizes = [256, 128], strides = [1, 1]} : vector<256x8192xbf16> to vector<256x128xbf16>
    %get3A_808 = arith.constant 45 : index
    %get3A_809 = arith.constant 0 : index
    %get3A_810 = arith.constant 0 : index
    %get3A_811 = vector.load %arg2[%get3A_808, %get3A_809, %get3A_810] : memref<64x128x128xbf16, #tpu.memory_space<vmem>>, vector<1x128x128xbf16>
    %get3A_812 = vector.shape_cast %get3A_811 : vector<1x128x128xbf16> to vector<128x128xbf16>
    %dot_general3A_813 = arith.constant dense<0.000000e+00> : vector<256x128xf32>
    %dot_general3A_814 = tpu.matmul %slice3A_807, %get3A_812, %dot_general3A_813 {dimension_numbers = #tpu.dot_dimension_numbers<[1], [1], [0], [0], [0, 0, 1, 0], [], []>, transpose_lhs_hint = false} : vector<256x128xbf16>, vector<128x128xbf16>, vector<256x128xf32> -> vector<256x128xf32>
    %get3A_815 = arith.constant 45 : index
    %get3A_816 = arith.constant 0 : index
    %get3A_817 = vector.load %arg3[%get3A_815, %get3A_816] : memref<64x128xf32, #tpu.memory_space<vmem>>, vector<1x128xf32>
    %get3A_818 = vector.shape_cast %get3A_817 : vector<1x128xf32> to vector<128xf32>
    %broadcast_in_dim3A_819 = vector.shape_cast %get3A_818 : vector<128xf32> to vector<1x128xf32>
    %add3A_820 = vector.broadcast %broadcast_in_dim3A_819 : vector<1x128xf32> to vector<256x128xf32>
    %add3A_821 = arith.addf %dot_general3A_814, %add3A_820 : vector<256x128xf32>
    %swap3A_822 = arith.constant 0 : index
    %swap3A_823 = arith.constant 5760 : index
    %swap3A_824 = vector.load %arg4[%swap3A_822, %swap3A_823] : memref<256x8192xf32, #tpu.memory_space<vmem>>, vector<256x128xf32>
    tpu.vector_store %arg4[%swap3A_822, %swap3A_823], %add3A_821 {strides = array<i32>} : memref<256x8192xf32, #tpu.memory_space<vmem>>, vector<256x128xf32>,
    %slice3A_825 = vector.extract_strided_slice %convert_element_type3A {offsets = [0, 5888], sizes = [256, 128], strides = [1, 1]} : vector<256x8192xbf16> to vector<256x128xbf16>
    %get3A_826 = arith.constant 46 : index
    %get3A_827 = arith.constant 0 : index
    %get3A_828 = arith.constant 0 : index
    %get3A_829 = vector.load %arg2[%get3A_826, %get3A_827, %get3A_828] : memref<64x128x128xbf16, #tpu.memory_space<vmem>>, vector<1x128x128xbf16>
    %get3A_830 = vector.shape_cast %get3A_829 : vector<1x128x128xbf16> to vector<128x128xbf16>
    %dot_general3A_831 = arith.constant dense<0.000000e+00> : vector<256x128xf32>
    %dot_general3A_832 = tpu.matmul %slice3A_825, %get3A_830, %dot_general3A_831 {dimension_numbers = #tpu.dot_dimension_numbers<[1], [1], [0], [0], [0, 0, 1, 0], [], []>, transpose_lhs_hint = false} : vector<256x128xbf16>, vector<128x128xbf16>, vector<256x128xf32> -> vector<256x128xf32>
    %get3A_833 = arith.constant 46 : index
    %get3A_834 = arith.constant 0 : index
    %get3A_835 = vector.load %arg3[%get3A_833, %get3A_834] : memref<64x128xf32, #tpu.memory_space<vmem>>, vector<1x128xf32>
    %get3A_836 = vector.shape_cast %get3A_835 : vector<1x128xf32> to vector<128xf32>
    %broadcast_in_dim3A_837 = vector.shape_cast %get3A_836 : vector<128xf32> to vector<1x128xf32>
    %add3A_838 = vector.broadcast %broadcast_in_dim3A_837 : vector<1x128xf32> to vector<256x128xf32>
    %add3A_839 = arith.addf %dot_general3A_832, %add3A_838 : vector<256x128xf32>
    %swap3A_840 = arith.constant 0 : index
    %swap3A_841 = arith.constant 5888 : index
    %swap3A_842 = vector.load %arg4[%swap3A_840, %swap3A_841] : memref<256x8192xf32, #tpu.memory_space<vmem>>, vector<256x128xf32>
    tpu.vector_store %arg4[%swap3A_840, %swap3A_841], %add3A_839 {strides = array<i32>} : memref<256x8192xf32, #tpu.memory_space<vmem>>, vector<256x128xf32>,
    %slice3A_843 = vector.extract_strided_slice %convert_element_type3A {offsets = [0, 6016], sizes = [256, 128], strides = [1, 1]} : vector<256x8192xbf16> to vector<256x128xbf16>
    %get3A_844 = arith.constant 47 : index
    %get3A_845 = arith.constant 0 : index
    %get3A_846 = arith.constant 0 : index
    %get3A_847 = vector.load %arg2[%get3A_844, %get3A_845, %get3A_846] : memref<64x128x128xbf16, #tpu.memory_space<vmem>>, vector<1x128x128xbf16>
    %get3A_848 = vector.shape_cast %get3A_847 : vector<1x128x128xbf16> to vector<128x128xbf16>
    %dot_general3A_849 = arith.constant dense<0.000000e+00> : vector<256x128xf32>
    %dot_general3A_850 = tpu.matmul %slice3A_843, %get3A_848, %dot_general3A_849 {dimension_numbers = #tpu.dot_dimension_numbers<[1], [1], [0], [0], [0, 0, 1, 0], [], []>, transpose_lhs_hint = false} : vector<256x128xbf16>, vector<128x128xbf16>, vector<256x128xf32> -> vector<256x128xf32>
    %get3A_851 = arith.constant 47 : index
    %get3A_852 = arith.constant 0 : index
    %get3A_853 = vector.load %arg3[%get3A_851, %get3A_852] : memref<64x128xf32, #tpu.memory_space<vmem>>, vector<1x128xf32>
    %get3A_854 = vector.shape_cast %get3A_853 : vector<1x128xf32> to vector<128xf32>
    %broadcast_in_dim3A_855 = vector.shape_cast %get3A_854 : vector<128xf32> to vector<1x128xf32>
    %add3A_856 = vector.broadcast %broadcast_in_dim3A_855 : vector<1x128xf32> to vector<256x128xf32>
    %add3A_857 = arith.addf %dot_general3A_850, %add3A_856 : vector<256x128xf32>
    %swap3A_858 = arith.constant 0 : index
    %swap3A_859 = arith.constant 6016 : index
    %swap3A_860 = vector.load %arg4[%swap3A_858, %swap3A_859] : memref<256x8192xf32, #tpu.memory_space<vmem>>, vector<256x128xf32>
    tpu.vector_store %arg4[%swap3A_858, %swap3A_859], %add3A_857 {strides = array<i32>} : memref<256x8192xf32, #tpu.memory_space<vmem>>, vector<256x128xf32>,
    %slice3A_861 = vector.extract_strided_slice %convert_element_type3A {offsets = [0, 6144], sizes = [256, 128], strides = [1, 1]} : vector<256x8192xbf16> to vector<256x128xbf16>
    %get3A_862 = arith.constant 48 : index
    %get3A_863 = arith.constant 0 : index
    %get3A_864 = arith.constant 0 : index
    %get3A_865 = vector.load %arg2[%get3A_862, %get3A_863, %get3A_864] : memref<64x128x128xbf16, #tpu.memory_space<vmem>>, vector<1x128x128xbf16>
    %get3A_866 = vector.shape_cast %get3A_865 : vector<1x128x128xbf16> to vector<128x128xbf16>
    %dot_general3A_867 = arith.constant dense<0.000000e+00> : vector<256x128xf32>
    %dot_general3A_868 = tpu.matmul %slice3A_861, %get3A_866, %dot_general3A_867 {dimension_numbers = #tpu.dot_dimension_numbers<[1], [1], [0], [0], [0, 0, 1, 0], [], []>, transpose_lhs_hint = false} : vector<256x128xbf16>, vector<128x128xbf16>, vector<256x128xf32> -> vector<256x128xf32>
    %get3A_869 = arith.constant 48 : index
    %get3A_870 = arith.constant 0 : index
    %get3A_871 = vector.load %arg3[%get3A_869, %get3A_870] : memref<64x128xf32, #tpu.memory_space<vmem>>, vector<1x128xf32>
    %get3A_872 = vector.shape_cast %get3A_871 : vector<1x128xf32> to vector<128xf32>
    %broadcast_in_dim3A_873 = vector.shape_cast %get3A_872 : vector<128xf32> to vector<1x128xf32>
    %add3A_874 = vector.broadcast %broadcast_in_dim3A_873 : vector<1x128xf32> to vector<256x128xf32>
    %add3A_875 = arith.addf %dot_general3A_868, %add3A_874 : vector<256x128xf32>
    %swap3A_876 = arith.constant 0 : index
    %swap3A_877 = arith.constant 6144 : index
    %swap3A_878 = vector.load %arg4[%swap3A_876, %swap3A_877] : memref<256x8192xf32, #tpu.memory_space<vmem>>, vector<256x128xf32>
    tpu.vector_store %arg4[%swap3A_876, %swap3A_877], %add3A_875 {strides = array<i32>} : memref<256x8192xf32, #tpu.memory_space<vmem>>, vector<256x128xf32>,
    %slice3A_879 = vector.extract_strided_slice %convert_element_type3A {offsets = [0, 6272], sizes = [256, 128], strides = [1, 1]} : vector<256x8192xbf16> to vector<256x128xbf16>
    %get3A_880 = arith.constant 49 : index
    %get3A_881 = arith.constant 0 : index
    %get3A_882 = arith.constant 0 : index
    %get3A_883 = vector.load %arg2[%get3A_880, %get3A_881, %get3A_882] : memref<64x128x128xbf16, #tpu.memory_space<vmem>>, vector<1x128x128xbf16>
    %get3A_884 = vector.shape_cast %get3A_883 : vector<1x128x128xbf16> to vector<128x128xbf16>
    %dot_general3A_885 = arith.constant dense<0.000000e+00> : vector<256x128xf32>
    %dot_general3A_886 = tpu.matmul %slice3A_879, %get3A_884, %dot_general3A_885 {dimension_numbers = #tpu.dot_dimension_numbers<[1], [1], [0], [0], [0, 0, 1, 0], [], []>, transpose_lhs_hint = false} : vector<256x128xbf16>, vector<128x128xbf16>, vector<256x128xf32> -> vector<256x128xf32>
    %get3A_887 = arith.constant 49 : index
    %get3A_888 = arith.constant 0 : index
    %get3A_889 = vector.load %arg3[%get3A_887, %get3A_888] : memref<64x128xf32, #tpu.memory_space<vmem>>, vector<1x128xf32>
    %get3A_890 = vector.shape_cast %get3A_889 : vector<1x128xf32> to vector<128xf32>
    %broadcast_in_dim3A_891 = vector.shape_cast %get3A_890 : vector<128xf32> to vector<1x128xf32>
    %add3A_892 = vector.broadcast %broadcast_in_dim3A_891 : vector<1x128xf32> to vector<256x128xf32>
    %add3A_893 = arith.addf %dot_general3A_886, %add3A_892 : vector<256x128xf32>
    %swap3A_894 = arith.constant 0 : index
    %swap3A_895 = arith.constant 6272 : index
    %swap3A_896 = vector.load %arg4[%swap3A_894, %swap3A_895] : memref<256x8192xf32, #tpu.memory_space<vmem>>, vector<256x128xf32>
    tpu.vector_store %arg4[%swap3A_894, %swap3A_895], %add3A_893 {strides = array<i32>} : memref<256x8192xf32, #tpu.memory_space<vmem>>, vector<256x128xf32>,
    %slice3A_897 = vector.extract_strided_slice %convert_element_type3A {offsets = [0, 6400], sizes = [256, 128], strides = [1, 1]} : vector<256x8192xbf16> to vector<256x128xbf16>
    %get3A_898 = arith.constant 50 : index
    %get3A_899 = arith.constant 0 : index
    %get3A_900 = arith.constant 0 : index
    %get3A_901 = vector.load %arg2[%get3A_898, %get3A_899, %get3A_900] : memref<64x128x128xbf16, #tpu.memory_space<vmem>>, vector<1x128x128xbf16>
    %get3A_902 = vector.shape_cast %get3A_901 : vector<1x128x128xbf16> to vector<128x128xbf16>
    %dot_general3A_903 = arith.constant dense<0.000000e+00> : vector<256x128xf32>
    %dot_general3A_904 = tpu.matmul %slice3A_897, %get3A_902, %dot_general3A_903 {dimension_numbers = #tpu.dot_dimension_numbers<[1], [1], [0], [0], [0, 0, 1, 0], [], []>, transpose_lhs_hint = false} : vector<256x128xbf16>, vector<128x128xbf16>, vector<256x128xf32> -> vector<256x128xf32>
    %get3A_905 = arith.constant 50 : index
    %get3A_906 = arith.constant 0 : index
    %get3A_907 = vector.load %arg3[%get3A_905, %get3A_906] : memref<64x128xf32, #tpu.memory_space<vmem>>, vector<1x128xf32>
    %get3A_908 = vector.shape_cast %get3A_907 : vector<1x128xf32> to vector<128xf32>
    %broadcast_in_dim3A_909 = vector.shape_cast %get3A_908 : vector<128xf32> to vector<1x128xf32>
    %add3A_910 = vector.broadcast %broadcast_in_dim3A_909 : vector<1x128xf32> to vector<256x128xf32>
    %add3A_911 = arith.addf %dot_general3A_904, %add3A_910 : vector<256x128xf32>
    %swap3A_912 = arith.constant 0 : index
    %swap3A_913 = arith.constant 6400 : index
    %swap3A_914 = vector.load %arg4[%swap3A_912, %swap3A_913] : memref<256x8192xf32, #tpu.memory_space<vmem>>, vector<256x128xf32>
    tpu.vector_store %arg4[%swap3A_912, %swap3A_913], %add3A_911 {strides = array<i32>} : memref<256x8192xf32, #tpu.memory_space<vmem>>, vector<256x128xf32>,
    %slice3A_915 = vector.extract_strided_slice %convert_element_type3A {offsets = [0, 6528], sizes = [256, 128], strides = [1, 1]} : vector<256x8192xbf16> to vector<256x128xbf16>
    %get3A_916 = arith.constant 51 : index
    %get3A_917 = arith.constant 0 : index
    %get3A_918 = arith.constant 0 : index
    %get3A_919 = vector.load %arg2[%get3A_916, %get3A_917, %get3A_918] : memref<64x128x128xbf16, #tpu.memory_space<vmem>>, vector<1x128x128xbf16>
    %get3A_920 = vector.shape_cast %get3A_919 : vector<1x128x128xbf16> to vector<128x128xbf16>
    %dot_general3A_921 = arith.constant dense<0.000000e+00> : vector<256x128xf32>
    %dot_general3A_922 = tpu.matmul %slice3A_915, %get3A_920, %dot_general3A_921 {dimension_numbers = #tpu.dot_dimension_numbers<[1], [1], [0], [0], [0, 0, 1, 0], [], []>, transpose_lhs_hint = false} : vector<256x128xbf16>, vector<128x128xbf16>, vector<256x128xf32> -> vector<256x128xf32>
    %get3A_923 = arith.constant 51 : index
    %get3A_924 = arith.constant 0 : index
    %get3A_925 = vector.load %arg3[%get3A_923, %get3A_924] : memref<64x128xf32, #tpu.memory_space<vmem>>, vector<1x128xf32>
    %get3A_926 = vector.shape_cast %get3A_925 : vector<1x128xf32> to vector<128xf32>
    %broadcast_in_dim3A_927 = vector.shape_cast %get3A_926 : vector<128xf32> to vector<1x128xf32>
    %add3A_928 = vector.broadcast %broadcast_in_dim3A_927 : vector<1x128xf32> to vector<256x128xf32>
    %add3A_929 = arith.addf %dot_general3A_922, %add3A_928 : vector<256x128xf32>
    %swap3A_930 = arith.constant 0 : index
    %swap3A_931 = arith.constant 6528 : index
    %swap3A_932 = vector.load %arg4[%swap3A_930, %swap3A_931] : memref<256x8192xf32, #tpu.memory_space<vmem>>, vector<256x128xf32>
    tpu.vector_store %arg4[%swap3A_930, %swap3A_931], %add3A_929 {strides = array<i32>} : memref<256x8192xf32, #tpu.memory_space<vmem>>, vector<256x128xf32>,
    %slice3A_933 = vector.extract_strided_slice %convert_element_type3A {offsets = [0, 6656], sizes = [256, 128], strides = [1, 1]} : vector<256x8192xbf16> to vector<256x128xbf16>
    %get3A_934 = arith.constant 52 : index
    %get3A_935 = arith.constant 0 : index
    %get3A_936 = arith.constant 0 : index
    %get3A_937 = vector.load %arg2[%get3A_934, %get3A_935, %get3A_936] : memref<64x128x128xbf16, #tpu.memory_space<vmem>>, vector<1x128x128xbf16>
    %get3A_938 = vector.shape_cast %get3A_937 : vector<1x128x128xbf16> to vector<128x128xbf16>
    %dot_general3A_939 = arith.constant dense<0.000000e+00> : vector<256x128xf32>
    %dot_general3A_940 = tpu.matmul %slice3A_933, %get3A_938, %dot_general3A_939 {dimension_numbers = #tpu.dot_dimension_numbers<[1], [1], [0], [0], [0, 0, 1, 0], [], []>, transpose_lhs_hint = false} : vector<256x128xbf16>, vector<128x128xbf16>, vector<256x128xf32> -> vector<256x128xf32>
    %get3A_941 = arith.constant 52 : index
    %get3A_942 = arith.constant 0 : index
    %get3A_943 = vector.load %arg3[%get3A_941, %get3A_942] : memref<64x128xf32, #tpu.memory_space<vmem>>, vector<1x128xf32>
    %get3A_944 = vector.shape_cast %get3A_943 : vector<1x128xf32> to vector<128xf32>
    %broadcast_in_dim3A_945 = vector.shape_cast %get3A_944 : vector<128xf32> to vector<1x128xf32>
    %add3A_946 = vector.broadcast %broadcast_in_dim3A_945 : vector<1x128xf32> to vector<256x128xf32>
    %add3A_947 = arith.addf %dot_general3A_940, %add3A_946 : vector<256x128xf32>
    %swap3A_948 = arith.constant 0 : index
    %swap3A_949 = arith.constant 6656 : index
    %swap3A_950 = vector.load %arg4[%swap3A_948, %swap3A_949] : memref<256x8192xf32, #tpu.memory_space<vmem>>, vector<256x128xf32>
    tpu.vector_store %arg4[%swap3A_948, %swap3A_949], %add3A_947 {strides = array<i32>} : memref<256x8192xf32, #tpu.memory_space<vmem>>, vector<256x128xf32>,
    %slice3A_951 = vector.extract_strided_slice %convert_element_type3A {offsets = [0, 6784], sizes = [256, 128], strides = [1, 1]} : vector<256x8192xbf16> to vector<256x128xbf16>
    %get3A_952 = arith.constant 53 : index
    %get3A_953 = arith.constant 0 : index
    %get3A_954 = arith.constant 0 : index
    %get3A_955 = vector.load %arg2[%get3A_952, %get3A_953, %get3A_954] : memref<64x128x128xbf16, #tpu.memory_space<vmem>>, vector<1x128x128xbf16>
    %get3A_956 = vector.shape_cast %get3A_955 : vector<1x128x128xbf16> to vector<128x128xbf16>
    %dot_general3A_957 = arith.constant dense<0.000000e+00> : vector<256x128xf32>
    %dot_general3A_958 = tpu.matmul %slice3A_951, %get3A_956, %dot_general3A_957 {dimension_numbers = #tpu.dot_dimension_numbers<[1], [1], [0], [0], [0, 0, 1, 0], [], []>, transpose_lhs_hint = false} : vector<256x128xbf16>, vector<128x128xbf16>, vector<256x128xf32> -> vector<256x128xf32>
    %get3A_959 = arith.constant 53 : index
    %get3A_960 = arith.constant 0 : index
    %get3A_961 = vector.load %arg3[%get3A_959, %get3A_960] : memref<64x128xf32, #tpu.memory_space<vmem>>, vector<1x128xf32>
    %get3A_962 = vector.shape_cast %get3A_961 : vector<1x128xf32> to vector<128xf32>
    %broadcast_in_dim3A_963 = vector.shape_cast %get3A_962 : vector<128xf32> to vector<1x128xf32>
    %add3A_964 = vector.broadcast %broadcast_in_dim3A_963 : vector<1x128xf32> to vector<256x128xf32>
    %add3A_965 = arith.addf %dot_general3A_958, %add3A_964 : vector<256x128xf32>
    %swap3A_966 = arith.constant 0 : index
    %swap3A_967 = arith.constant 6784 : index
    %swap3A_968 = vector.load %arg4[%swap3A_966, %swap3A_967] : memref<256x8192xf32, #tpu.memory_space<vmem>>, vector<256x128xf32>
    tpu.vector_store %arg4[%swap3A_966, %swap3A_967], %add3A_965 {strides = array<i32>} : memref<256x8192xf32, #tpu.memory_space<vmem>>, vector<256x128xf32>,
    %slice3A_969 = vector.extract_strided_slice %convert_element_type3A {offsets = [0, 6912], sizes = [256, 128], strides = [1, 1]} : vector<256x8192xbf16> to vector<256x128xbf16>
    %get3A_970 = arith.constant 54 : index
    %get3A_971 = arith.constant 0 : index
    %get3A_972 = arith.constant 0 : index
    %get3A_973 = vector.load %arg2[%get3A_970, %get3A_971, %get3A_972] : memref<64x128x128xbf16, #tpu.memory_space<vmem>>, vector<1x128x128xbf16>
    %get3A_974 = vector.shape_cast %get3A_973 : vector<1x128x128xbf16> to vector<128x128xbf16>
    %dot_general3A_975 = arith.constant dense<0.000000e+00> : vector<256x128xf32>
    %dot_general3A_976 = tpu.matmul %slice3A_969, %get3A_974, %dot_general3A_975 {dimension_numbers = #tpu.dot_dimension_numbers<[1], [1], [0], [0], [0, 0, 1, 0], [], []>, transpose_lhs_hint = false} : vector<256x128xbf16>, vector<128x128xbf16>, vector<256x128xf32> -> vector<256x128xf32>
    %get3A_977 = arith.constant 54 : index
    %get3A_978 = arith.constant 0 : index
    %get3A_979 = vector.load %arg3[%get3A_977, %get3A_978] : memref<64x128xf32, #tpu.memory_space<vmem>>, vector<1x128xf32>
    %get3A_980 = vector.shape_cast %get3A_979 : vector<1x128xf32> to vector<128xf32>
    %broadcast_in_dim3A_981 = vector.shape_cast %get3A_980 : vector<128xf32> to vector<1x128xf32>
    %add3A_982 = vector.broadcast %broadcast_in_dim3A_981 : vector<1x128xf32> to vector<256x128xf32>
    %add3A_983 = arith.addf %dot_general3A_976, %add3A_982 : vector<256x128xf32>
    %swap3A_984 = arith.constant 0 : index
    %swap3A_985 = arith.constant 6912 : index
    %swap3A_986 = vector.load %arg4[%swap3A_984, %swap3A_985] : memref<256x8192xf32, #tpu.memory_space<vmem>>, vector<256x128xf32>
    tpu.vector_store %arg4[%swap3A_984, %swap3A_985], %add3A_983 {strides = array<i32>} : memref<256x8192xf32, #tpu.memory_space<vmem>>, vector<256x128xf32>,
    %slice3A_987 = vector.extract_strided_slice %convert_element_type3A {offsets = [0, 7040], sizes = [256, 128], strides = [1, 1]} : vector<256x8192xbf16> to vector<256x128xbf16>
    %get3A_988 = arith.constant 55 : index
    %get3A_989 = arith.constant 0 : index
    %get3A_990 = arith.constant 0 : index
    %get3A_991 = vector.load %arg2[%get3A_988, %get3A_989, %get3A_990] : memref<64x128x128xbf16, #tpu.memory_space<vmem>>, vector<1x128x128xbf16>
    %get3A_992 = vector.shape_cast %get3A_991 : vector<1x128x128xbf16> to vector<128x128xbf16>
    %dot_general3A_993 = arith.constant dense<0.000000e+00> : vector<256x128xf32>
    %dot_general3A_994 = tpu.matmul %slice3A_987, %get3A_992, %dot_general3A_993 {dimension_numbers = #tpu.dot_dimension_numbers<[1], [1], [0], [0], [0, 0, 1, 0], [], []>, transpose_lhs_hint = false} : vector<256x128xbf16>, vector<128x128xbf16>, vector<256x128xf32> -> vector<256x128xf32>
    %get3A_995 = arith.constant 55 : index
    %get3A_996 = arith.constant 0 : index
    %get3A_997 = vector.load %arg3[%get3A_995, %get3A_996] : memref<64x128xf32, #tpu.memory_space<vmem>>, vector<1x128xf32>
    %get3A_998 = vector.shape_cast %get3A_997 : vector<1x128xf32> to vector<128xf32>
    %broadcast_in_dim3A_999 = vector.shape_cast %get3A_998 : vector<128xf32> to vector<1x128xf32>
    %add3A_1000 = vector.broadcast %broadcast_in_dim3A_999 : vector<1x128xf32> to vector<256x128xf32>
    %add3A_1001 = arith.addf %dot_general3A_994, %add3A_1000 : vector<256x128xf32>
    %swap3A_1002 = arith.constant 0 : index
    %swap3A_1003 = arith.constant 7040 : index
    %swap3A_1004 = vector.load %arg4[%swap3A_1002, %swap3A_1003] : memref<256x8192xf32, #tpu.memory_space<vmem>>, vector<256x128xf32>
    tpu.vector_store %arg4[%swap3A_1002, %swap3A_1003], %add3A_1001 {strides = array<i32>} : memref<256x8192xf32, #tpu.memory_space<vmem>>, vector<256x128xf32>,
    %slice3A_1005 = vector.extract_strided_slice %convert_element_type3A {offsets = [0, 7168], sizes = [256, 128], strides = [1, 1]} : vector<256x8192xbf16> to vector<256x128xbf16>
    %get3A_1006 = arith.constant 56 : index
    %get3A_1007 = arith.constant 0 : index
    %get3A_1008 = arith.constant 0 : index
    %get3A_1009 = vector.load %arg2[%get3A_1006, %get3A_1007, %get3A_1008] : memref<64x128x128xbf16, #tpu.memory_space<vmem>>, vector<1x128x128xbf16>
    %get3A_1010 = vector.shape_cast %get3A_1009 : vector<1x128x128xbf16> to vector<128x128xbf16>
    %dot_general3A_1011 = arith.constant dense<0.000000e+00> : vector<256x128xf32>
    %dot_general3A_1012 = tpu.matmul %slice3A_1005, %get3A_1010, %dot_general3A_1011 {dimension_numbers = #tpu.dot_dimension_numbers<[1], [1], [0], [0], [0, 0, 1, 0], [], []>, transpose_lhs_hint = false} : vector<256x128xbf16>, vector<128x128xbf16>, vector<256x128xf32> -> vector<256x128xf32>
    %get3A_1013 = arith.constant 56 : index
    %get3A_1014 = arith.constant 0 : index
    %get3A_1015 = vector.load %arg3[%get3A_1013, %get3A_1014] : memref<64x128xf32, #tpu.memory_space<vmem>>, vector<1x128xf32>
    %get3A_1016 = vector.shape_cast %get3A_1015 : vector<1x128xf32> to vector<128xf32>
    %broadcast_in_dim3A_1017 = vector.shape_cast %get3A_1016 : vector<128xf32> to vector<1x128xf32>
    %add3A_1018 = vector.broadcast %broadcast_in_dim3A_1017 : vector<1x128xf32> to vector<256x128xf32>
    %add3A_1019 = arith.addf %dot_general3A_1012, %add3A_1018 : vector<256x128xf32>
    %swap3A_1020 = arith.constant 0 : index
    %swap3A_1021 = arith.constant 7168 : index
    %swap3A_1022 = vector.load %arg4[%swap3A_1020, %swap3A_1021] : memref<256x8192xf32, #tpu.memory_space<vmem>>, vector<256x128xf32>
    tpu.vector_store %arg4[%swap3A_1020, %swap3A_1021], %add3A_1019 {strides = array<i32>} : memref<256x8192xf32, #tpu.memory_space<vmem>>, vector<256x128xf32>,
    %slice3A_1023 = vector.extract_strided_slice %convert_element_type3A {offsets = [0, 7296], sizes = [256, 128], strides = [1, 1]} : vector<256x8192xbf16> to vector<256x128xbf16>
    %get3A_1024 = arith.constant 57 : index
    %get3A_1025 = arith.constant 0 : index
    %get3A_1026 = arith.constant 0 : index
    %get3A_1027 = vector.load %arg2[%get3A_1024, %get3A_1025, %get3A_1026] : memref<64x128x128xbf16, #tpu.memory_space<vmem>>, vector<1x128x128xbf16>
    %get3A_1028 = vector.shape_cast %get3A_1027 : vector<1x128x128xbf16> to vector<128x128xbf16>
    %dot_general3A_1029 = arith.constant dense<0.000000e+00> : vector<256x128xf32>
    %dot_general3A_1030 = tpu.matmul %slice3A_1023, %get3A_1028, %dot_general3A_1029 {dimension_numbers = #tpu.dot_dimension_numbers<[1], [1], [0], [0], [0, 0, 1, 0], [], []>, transpose_lhs_hint = false} : vector<256x128xbf16>, vector<128x128xbf16>, vector<256x128xf32> -> vector<256x128xf32>
    %get3A_1031 = arith.constant 57 : index
    %get3A_1032 = arith.constant 0 : index
    %get3A_1033 = vector.load %arg3[%get3A_1031, %get3A_1032] : memref<64x128xf32, #tpu.memory_space<vmem>>, vector<1x128xf32>
    %get3A_1034 = vector.shape_cast %get3A_1033 : vector<1x128xf32> to vector<128xf32>
    %broadcast_in_dim3A_1035 = vector.shape_cast %get3A_1034 : vector<128xf32> to vector<1x128xf32>
    %add3A_1036 = vector.broadcast %broadcast_in_dim3A_1035 : vector<1x128xf32> to vector<256x128xf32>
    %add3A_1037 = arith.addf %dot_general3A_1030, %add3A_1036 : vector<256x128xf32>
    %swap3A_1038 = arith.constant 0 : index
    %swap3A_1039 = arith.constant 7296 : index
    %swap3A_1040 = vector.load %arg4[%swap3A_1038, %swap3A_1039] : memref<256x8192xf32, #tpu.memory_space<vmem>>, vector<256x128xf32>
    tpu.vector_store %arg4[%swap3A_1038, %swap3A_1039], %add3A_1037 {strides = array<i32>} : memref<256x8192xf32, #tpu.memory_space<vmem>>, vector<256x128xf32>,
    %slice3A_1041 = vector.extract_strided_slice %convert_element_type3A {offsets = [0, 7424], sizes = [256, 128], strides = [1, 1]} : vector<256x8192xbf16> to vector<256x128xbf16>
    %get3A_1042 = arith.constant 58 : index
    %get3A_1043 = arith.constant 0 : index
    %get3A_1044 = arith.constant 0 : index
    %get3A_1045 = vector.load %arg2[%get3A_1042, %get3A_1043, %get3A_1044] : memref<64x128x128xbf16, #tpu.memory_space<vmem>>, vector<1x128x128xbf16>
    %get3A_1046 = vector.shape_cast %get3A_1045 : vector<1x128x128xbf16> to vector<128x128xbf16>
    %dot_general3A_1047 = arith.constant dense<0.000000e+00> : vector<256x128xf32>
    %dot_general3A_1048 = tpu.matmul %slice3A_1041, %get3A_1046, %dot_general3A_1047 {dimension_numbers = #tpu.dot_dimension_numbers<[1], [1], [0], [0], [0, 0, 1, 0], [], []>, transpose_lhs_hint = false} : vector<256x128xbf16>, vector<128x128xbf16>, vector<256x128xf32> -> vector<256x128xf32>
    %get3A_1049 = arith.constant 58 : index
    %get3A_1050 = arith.constant 0 : index
    %get3A_1051 = vector.load %arg3[%get3A_1049, %get3A_1050] : memref<64x128xf32, #tpu.memory_space<vmem>>, vector<1x128xf32>
    %get3A_1052 = vector.shape_cast %get3A_1051 : vector<1x128xf32> to vector<128xf32>
    %broadcast_in_dim3A_1053 = vector.shape_cast %get3A_1052 : vector<128xf32> to vector<1x128xf32>
    %add3A_1054 = vector.broadcast %broadcast_in_dim3A_1053 : vector<1x128xf32> to vector<256x128xf32>
    %add3A_1055 = arith.addf %dot_general3A_1048, %add3A_1054 : vector<256x128xf32>
    %swap3A_1056 = arith.constant 0 : index
    %swap3A_1057 = arith.constant 7424 : index
    %swap3A_1058 = vector.load %arg4[%swap3A_1056, %swap3A_1057] : memref<256x8192xf32, #tpu.memory_space<vmem>>, vector<256x128xf32>
    tpu.vector_store %arg4[%swap3A_1056, %swap3A_1057], %add3A_1055 {strides = array<i32>} : memref<256x8192xf32, #tpu.memory_space<vmem>>, vector<256x128xf32>,
    %slice3A_1059 = vector.extract_strided_slice %convert_element_type3A {offsets = [0, 7552], sizes = [256, 128], strides = [1, 1]} : vector<256x8192xbf16> to vector<256x128xbf16>
    %get3A_1060 = arith.constant 59 : index
    %get3A_1061 = arith.constant 0 : index
    %get3A_1062 = arith.constant 0 : index
    %get3A_1063 = vector.load %arg2[%get3A_1060, %get3A_1061, %get3A_1062] : memref<64x128x128xbf16, #tpu.memory_space<vmem>>, vector<1x128x128xbf16>
    %get3A_1064 = vector.shape_cast %get3A_1063 : vector<1x128x128xbf16> to vector<128x128xbf16>
    %dot_general3A_1065 = arith.constant dense<0.000000e+00> : vector<256x128xf32>
    %dot_general3A_1066 = tpu.matmul %slice3A_1059, %get3A_1064, %dot_general3A_1065 {dimension_numbers = #tpu.dot_dimension_numbers<[1], [1], [0], [0], [0, 0, 1, 0], [], []>, transpose_lhs_hint = false} : vector<256x128xbf16>, vector<128x128xbf16>, vector<256x128xf32> -> vector<256x128xf32>
    %get3A_1067 = arith.constant 59 : index
    %get3A_1068 = arith.constant 0 : index
    %get3A_1069 = vector.load %arg3[%get3A_1067, %get3A_1068] : memref<64x128xf32, #tpu.memory_space<vmem>>, vector<1x128xf32>
    %get3A_1070 = vector.shape_cast %get3A_1069 : vector<1x128xf32> to vector<128xf32>
    %broadcast_in_dim3A_1071 = vector.shape_cast %get3A_1070 : vector<128xf32> to vector<1x128xf32>
    %add3A_1072 = vector.broadcast %broadcast_in_dim3A_1071 : vector<1x128xf32> to vector<256x128xf32>
    %add3A_1073 = arith.addf %dot_general3A_1066, %add3A_1072 : vector<256x128xf32>
    %swap3A_1074 = arith.constant 0 : index
    %swap3A_1075 = arith.constant 7552 : index
    %swap3A_1076 = vector.load %arg4[%swap3A_1074, %swap3A_1075] : memref<256x8192xf32, #tpu.memory_space<vmem>>, vector<256x128xf32>
    tpu.vector_store %arg4[%swap3A_1074, %swap3A_1075], %add3A_1073 {strides = array<i32>} : memref<256x8192xf32, #tpu.memory_space<vmem>>, vector<256x128xf32>,
    %slice3A_1077 = vector.extract_strided_slice %convert_element_type3A {offsets = [0, 7680], sizes = [256, 128], strides = [1, 1]} : vector<256x8192xbf16> to vector<256x128xbf16>
    %get3A_1078 = arith.constant 60 : index
    %get3A_1079 = arith.constant 0 : index
    %get3A_1080 = arith.constant 0 : index
    %get3A_1081 = vector.load %arg2[%get3A_1078, %get3A_1079, %get3A_1080] : memref<64x128x128xbf16, #tpu.memory_space<vmem>>, vector<1x128x128xbf16>
    %get3A_1082 = vector.shape_cast %get3A_1081 : vector<1x128x128xbf16> to vector<128x128xbf16>
    %dot_general3A_1083 = arith.constant dense<0.000000e+00> : vector<256x128xf32>
    %dot_general3A_1084 = tpu.matmul %slice3A_1077, %get3A_1082, %dot_general3A_1083 {dimension_numbers = #tpu.dot_dimension_numbers<[1], [1], [0], [0], [0, 0, 1, 0], [], []>, transpose_lhs_hint = false} : vector<256x128xbf16>, vector<128x128xbf16>, vector<256x128xf32> -> vector<256x128xf32>
    %get3A_1085 = arith.constant 60 : index
    %get3A_1086 = arith.constant 0 : index
    %get3A_1087 = vector.load %arg3[%get3A_1085, %get3A_1086] : memref<64x128xf32, #tpu.memory_space<vmem>>, vector<1x128xf32>
    %get3A_1088 = vector.shape_cast %get3A_1087 : vector<1x128xf32> to vector<128xf32>
    %broadcast_in_dim3A_1089 = vector.shape_cast %get3A_1088 : vector<128xf32> to vector<1x128xf32>
    %add3A_1090 = vector.broadcast %broadcast_in_dim3A_1089 : vector<1x128xf32> to vector<256x128xf32>
    %add3A_1091 = arith.addf %dot_general3A_1084, %add3A_1090 : vector<256x128xf32>
    %swap3A_1092 = arith.constant 0 : index
    %swap3A_1093 = arith.constant 7680 : index
    %swap3A_1094 = vector.load %arg4[%swap3A_1092, %swap3A_1093] : memref<256x8192xf32, #tpu.memory_space<vmem>>, vector<256x128xf32>
    tpu.vector_store %arg4[%swap3A_1092, %swap3A_1093], %add3A_1091 {strides = array<i32>} : memref<256x8192xf32, #tpu.memory_space<vmem>>, vector<256x128xf32>,
    %slice3A_1095 = vector.extract_strided_slice %convert_element_type3A {offsets = [0, 7808], sizes = [256, 128], strides = [1, 1]} : vector<256x8192xbf16> to vector<256x128xbf16>
    %get3A_1096 = arith.constant 61 : index
    %get3A_1097 = arith.constant 0 : index
    %get3A_1098 = arith.constant 0 : index
    %get3A_1099 = vector.load %arg2[%get3A_1096, %get3A_1097, %get3A_1098] : memref<64x128x128xbf16, #tpu.memory_space<vmem>>, vector<1x128x128xbf16>
    %get3A_1100 = vector.shape_cast %get3A_1099 : vector<1x128x128xbf16> to vector<128x128xbf16>
    %dot_general3A_1101 = arith.constant dense<0.000000e+00> : vector<256x128xf32>
    %dot_general3A_1102 = tpu.matmul %slice3A_1095, %get3A_1100, %dot_general3A_1101 {dimension_numbers = #tpu.dot_dimension_numbers<[1], [1], [0], [0], [0, 0, 1, 0], [], []>, transpose_lhs_hint = false} : vector<256x128xbf16>, vector<128x128xbf16>, vector<256x128xf32> -> vector<256x128xf32>
    %get3A_1103 = arith.constant 61 : index
    %get3A_1104 = arith.constant 0 : index
    %get3A_1105 = vector.load %arg3[%get3A_1103, %get3A_1104] : memref<64x128xf32, #tpu.memory_space<vmem>>, vector<1x128xf32>
    %get3A_1106 = vector.shape_cast %get3A_1105 : vector<1x128xf32> to vector<128xf32>
    %broadcast_in_dim3A_1107 = vector.shape_cast %get3A_1106 : vector<128xf32> to vector<1x128xf32>
    %add3A_1108 = vector.broadcast %broadcast_in_dim3A_1107 : vector<1x128xf32> to vector<256x128xf32>
    %add3A_1109 = arith.addf %dot_general3A_1102, %add3A_1108 : vector<256x128xf32>
    %swap3A_1110 = arith.constant 0 : index
    %swap3A_1111 = arith.constant 7808 : index
    %swap3A_1112 = vector.load %arg4[%swap3A_1110, %swap3A_1111] : memref<256x8192xf32, #tpu.memory_space<vmem>>, vector<256x128xf32>
    tpu.vector_store %arg4[%swap3A_1110, %swap3A_1111], %add3A_1109 {strides = array<i32>} : memref<256x8192xf32, #tpu.memory_space<vmem>>, vector<256x128xf32>,
    %slice3A_1113 = vector.extract_strided_slice %convert_element_type3A {offsets = [0, 7936], sizes = [256, 128], strides = [1, 1]} : vector<256x8192xbf16> to vector<256x128xbf16>
    %get3A_1114 = arith.constant 62 : index
    %get3A_1115 = arith.constant 0 : index
    %get3A_1116 = arith.constant 0 : index
    %get3A_1117 = vector.load %arg2[%get3A_1114, %get3A_1115, %get3A_1116] : memref<64x128x128xbf16, #tpu.memory_space<vmem>>, vector<1x128x128xbf16>
    %get3A_1118 = vector.shape_cast %get3A_1117 : vector<1x128x128xbf16> to vector<128x128xbf16>
    %dot_general3A_1119 = arith.constant dense<0.000000e+00> : vector<256x128xf32>
    %dot_general3A_1120 = tpu.matmul %slice3A_1113, %get3A_1118, %dot_general3A_1119 {dimension_numbers = #tpu.dot_dimension_numbers<[1], [1], [0], [0], [0, 0, 1, 0], [], []>, transpose_lhs_hint = false} : vector<256x128xbf16>, vector<128x128xbf16>, vector<256x128xf32> -> vector<256x128xf32>
    %get3A_1121 = arith.constant 62 : index
    %get3A_1122 = arith.constant 0 : index
    %get3A_1123 = vector.load %arg3[%get3A_1121, %get3A_1122] : memref<64x128xf32, #tpu.memory_space<vmem>>, vector<1x128xf32>
    %get3A_1124 = vector.shape_cast %get3A_1123 : vector<1x128xf32> to vector<128xf32>
    %broadcast_in_dim3A_1125 = vector.shape_cast %get3A_1124 : vector<128xf32> to vector<1x128xf32>
    %add3A_1126 = vector.broadcast %broadcast_in_dim3A_1125 : vector<1x128xf32> to vector<256x128xf32>
    %add3A_1127 = arith.addf %dot_general3A_1120, %add3A_1126 : vector<256x128xf32>
    %swap3A_1128 = arith.constant 0 : index
    %swap3A_1129 = arith.constant 7936 : index
    %swap3A_1130 = vector.load %arg4[%swap3A_1128, %swap3A_1129] : memref<256x8192xf32, #tpu.memory_space<vmem>>, vector<256x128xf32>
    tpu.vector_store %arg4[%swap3A_1128, %swap3A_1129], %add3A_1127 {strides = array<i32>} : memref<256x8192xf32, #tpu.memory_space<vmem>>, vector<256x128xf32>,
    %slice3A_1131 = vector.extract_strided_slice %convert_element_type3A {offsets = [0, 8064], sizes = [256, 128], strides = [1, 1]} : vector<256x8192xbf16> to vector<256x128xbf16>
    %get3A_1132 = arith.constant 63 : index
    %get3A_1133 = arith.constant 0 : index
    %get3A_1134 = arith.constant 0 : index
    %get3A_1135 = vector.load %arg2[%get3A_1132, %get3A_1133, %get3A_1134] : memref<64x128x128xbf16, #tpu.memory_space<vmem>>, vector<1x128x128xbf16>
    %get3A_1136 = vector.shape_cast %get3A_1135 : vector<1x128x128xbf16> to vector<128x128xbf16>
    %dot_general3A_1137 = arith.constant dense<0.000000e+00> : vector<256x128xf32>
    %dot_general3A_1138 = tpu.matmul %slice3A_1131, %get3A_1136, %dot_general3A_1137 {dimension_numbers = #tpu.dot_dimension_numbers<[1], [1], [0], [0], [0, 0, 1, 0], [], []>, transpose_lhs_hint = false} : vector<256x128xbf16>, vector<128x128xbf16>, vector<256x128xf32> -> vector<256x128xf32>
    %get3A_1139 = arith.constant 63 : index
    %get3A_1140 = arith.constant 0 : index
    %get3A_1141 = vector.load %arg3[%get3A_1139, %get3A_1140] : memref<64x128xf32, #tpu.memory_space<vmem>>, vector<1x128xf32>
    %get3A_1142 = vector.shape_cast %get3A_1141 : vector<1x128xf32> to vector<128xf32>
    %broadcast_in_dim3A_1143 = vector.shape_cast %get3A_1142 : vector<128xf32> to vector<1x128xf32>
    %add3A_1144 = vector.broadcast %broadcast_in_dim3A_1143 : vector<1x128xf32> to vector<256x128xf32>
    %add3A_1145 = arith.addf %dot_general3A_1138, %add3A_1144 : vector<256x128xf32>
    %swap3A_1146 = arith.constant 0 : index
    %swap3A_1147 = arith.constant 8064 : index
    %swap3A_1148 = vector.load %arg4[%swap3A_1146, %swap3A_1147] : memref<256x8192xf32, #tpu.memory_space<vmem>>, vector<256x128xf32>
    tpu.vector_store %arg4[%swap3A_1146, %swap3A_1147], %add3A_1145 {strides = array<i32>} : memref<256x8192xf32, #tpu.memory_space<vmem>>, vector<256x128xf32>,
    return
  }
  func.func @transform_0(%arg0: i32) -> (i32, i32) {
    %c0_i32 = arith.constant 0 : i32
    %c0_i32_0 = arith.constant 0 : i32
    return %arg0, %c0_i32 : i32, i32
  }
  func.func @transform_1(%arg0: i32) -> (i32, i32, i32) {
    %c0_i32 = arith.constant 0 : i32
    %c0_i32_0 = arith.constant 0 : i32
    %c0_i32_1 = arith.constant 0 : i32
    %c0_i32_2 = arith.constant 0 : i32
    return %c0_i32, %c0_i32_0, %c0_i32_1 : i32, i32, i32
  }
  func.func @transform_2(%arg0: i32) -> (i32, i32) {
    %c0_i32 = arith.constant 0 : i32
    %c0_i32_0 = arith.constant 0 : i32
    %c0_i32_1 = arith.constant 0 : i32
    return %c0_i32, %c0_i32_0 : i32, i32
  }
  func.func @transform_3(%arg0: i32) -> (i32, i32) {
    %c0_i32 = arith.constant 0 : i32
    %c0_i32_0 = arith.constant 0 : i32
    return %arg0, %c0_i32 : i32, i32
  }
}

</mosaic_0001>

<sc_bundles>
// kernel: sparse-core-data-format-call.1.cloned.1.call-start
scs
called_computation.1_lowered:
.L_overlay_start_0:
0x0: {  	s2 =	sld [smem:$0x3FD9]  }
0x1: {  	s3 =	sld [smem:$0x3FFE];
	_ =	sdelay $0x1  }
0x2: {  	s1 =	srdreg.scid  }
0x3: {  	s0 =	sand.u32 $0x1, s1  }
0x4: {  	s19 =	sshll.u32 s0, $0xA;
	s2 =	sadd.s32 s3, s2  }
0x5: {  	s2 =	sadd.s32 s2, s19  }
0x6: {  	[smem:$0x3FC5] =	sst s2  }
0x7: {  	_ = 	snop  }
0x8: {  	s2 =	sld [smem:$0x3FC9]  }
0x9: {  	s20 =	sld [smem:$0x3FD0];
	(tm) =	ssettm $0x1  }
0xa: {  	s4 =	sld [smem:$0x3FFB];
	_ =	sdelay $0x3  }
0xb: {  	_ =	strace s4  }
0xc: {  	s4 =	sld [smem:$0x3FFC];
	_ =	sdelay $0x3  }
0xd: {  	_ =	strace s4  }
0xe: {  	s4 =	sld [smem:$0x3FFD];
	_ =	sdelay $0x3  }
0xf: {  	_ =	strace s4  }
0x10: {  	_ =	strace $0x8FFFFFFF  }
0x11: {  	s21 =	sld [smem:$0x3FDB];
	_ =	sdelay $0x1  }
0x12: {  	s5 =	simm.s32 $_scs_section_size  }
0x13: {  	s6 =	simm.s32 $_size__tile_overlayer_lowered;
	s7 =	simm.s32 $_tile_overlayer_lowered  }
0x14: {  	s24 =	simm.s32 $0x1BFF;
	s23 =	sshll.u32 s7, $0x1;
	s4 =	sadd.s32 s5, s21  }
0x15: {  	s8 =	simm.s32 $0x0;
	s22 =	sshll.u32 s6, $0x1;
	s6 =	sadd.s32 s23, s4  }
0x16: {  	[timem:s8], [sflag:s24] =	dma.local [hbm:s6], s22  }
0x17: {  	_ =	swait.ge [sflag:s24], s22  }
0x18: {  	s5 =	ssub.s32 $0x0, s22;
	[sflag:s24] =	ssyncset.done $0x0  }
0x19: {  	[sflag:s24] =	ssyncadd.s32 s5;
	_ =	sdelay $0x1  }
0x1a: {  	s25 =	simm.s32 $0x1B8B  }
0x1b: {  	_ =	swait.ge [sflag:s25], $0x1  }
0x1c: {  	[sflag:s25] =	ssyncset.done $0x0  }
0x1d: {  	s26 =	simm.s32 $0x1B8E;
	[sflag:s25] =	ssyncadd.s32 $0xFFFFFFFF  }
0x1e: {  	s27 =	simm.s32 $execute0_lowered;
	[smem:$0x3FD2] =	sst s26  }
0x1f: {  	s5 =	sshll.u32 s27, $0x1;
	_ =	strace $0x80000046;
	[dreg:$0x1] =	wrdreg $0xFFFFFFFF  }
0x20: {  	s28 =	simm.s32 $_size_execute0_lowered;
	s4 =	sadd.s32 s4, s5;
	[dreg:$0x0] =	wrdreg $0x0  }
0x21: {  	s5 =	sshll.u32 s28, $0x1;
	[dreg:$0x2] =	wrdreg s4  }
0x22: {  	[dreg:$0x3] =	wrdreg s5  }
0x23: {  	[dreg:$0x4] =	wrdreg $0xC0  }
0x24: {  	_ =	task [dreg:s8], $0x5FFFF  }
0x25: {  	[dreg:$0x1] =	wrdreg $0xFFFFFFFF  }
0x26: {  	[dreg:$0x0] =	wrdreg $0x60  }
0x27: {  	[dreg:$0x2] =	wrdreg s2  }
0x28: {  	[dreg:$0x3] =	wrdreg s20  }
0x29: {  	[dreg:$0x4] =	wrdreg $0x9  }
0x2a: {  	_ =	task.clear_ibuf [dreg:s8], $0x5FFFF;
	_ =	strace $0x90000046  }
0x2b: {  	s29 =	simm.s32 $0x9;
	_ =	strace $0x80000048  }
0x2c: {  	_ =	swait.ge [sflag:s29], $0x1  }
0x2d: {  	[sflag:s29] =	ssyncadd.s32 $0xFFFFFFFF  }
0x2e: {  	_ =	strace $0x90000048  }
0x2f: {  	_ =	sfence  }
0x30: {  	s30 =	sld [smem:$0x0];
	_ =	sdelay $0x2  }
0x31: {  	s31 =	sshll.u32 s1, $0xD;
	s1 =	sshrl.u32 s1, $0x2  }
0x32: {  	s3 =	sand.u32 $0x4000, s31;
	s1 =	sadd.s32 s1, s30  }
0x33: {  	s0 =	sor.u32 s3, s0;
	s1 =	sshll.u32 s1, $0x11  }
0x34: {  	s0 =	sor.u32 s1, s0  }
0x35: {  	s0 =	sadd.s32 $0x8F2B, s0  }
0x36: {  	[sflag:s0] =	ssyncadd.remote.s32 $0x1  }
0x37: {  	_ =	sfence.sel $0xFFFF  }
0x38: {  	[dreg:$0x0] =	wrdreg $0xFFFFFFFF;
	(pc) =	sbr.abs _section_cstart, $3  }
0x39: {  	[dreg:$0x1] =	wrdreg $0xFFFFFFFF  }
0x3a: {  	_ =	task.clear_ibuf [dreg:s8], $0x2FFFF;
	_ =	strace $0x9FFFFFFF  }
0x3b: {  	(tm) =	ssettm $0x7FFFFFFF  }
tec
execute0_lowered:
.L_overlay_start_1:
0x0: {  	(tag) =	ssettag $0x1  }
0x1: {  	s2 =	rddreg [dreg:$0x0]  }
0x2: {  	s3 =	rddreg [dreg:$0x1]  }
0x3: {  	s0 =	rddreg [dreg:$0x2];
	_ =	strace $0x80000047;
	s4 =	srdreg.scid  }
0x4: {  	s1 =	stileid.u32;
	s6 =	simm.s32 $0x2;
	s11 =	simm.s32 $0x0  }
.Ltmp0:
0x5: {  	p0 =	por $0x0, $0x0;
	s7 =	simm.s32 $0x400;
	(pc) =	sbr.rel .LBB1_1-.Ltmp0, $4  }
0x6: {  	s12 =	simm.s32 $0x0;
	s9 =	simm.s32 $0x0;
	s5 =	sshll.u32 s4, $0x4  }
0x7: {  	s8 =	simm.s32 $0x0;
	s4 =	simm.s32 $0x1;
	s5 =	sand.u32 $0x10, s5  }
0x8: {  	s19 =	simm.s32 $0x0;
	[sflag:s4] =	ssyncpa.u1 $0x0;
	s5 =	sor.u32 s1, s5  }
0x9: {  	[sflag:s6] =	ssyncpa.u1 $0x0;
	s6 =	simm.s32 $0x100;
	s10 =	smov.u32 s5  }
.LBB1_7:
0xa: {  	s13 =	sadd.s32 $0x2, s9  }
0xb: {  	s11 =	sadd.s32 $0x20, s10;
	s15 =	smov.u32 s10;
	p2 =	sgt.s32 s13, $0x7  }
0xc: {  	p1 =	slt.u32 s8, $0x2;
	s15 =	smov.u32 @p2 s11  }
0xd: {  	s8 =	sadd.s32 $0x1, s8;
	s13 =	simm.s32 @p2 $0x0;
	p2 =	sgt.s32 s15, $0x1FF  }
0xe: {  	s15 =	smov.u32 @p2 s5;
	p2 =	sne.s32 s8, $0x42  }
.Ltmp1:
0xf: {  	_ = 	snop;
	(pc) =	sbr.rel @!p2 .LBB1_8-.Ltmp1, $4  }
0x10: {  	s14 =	simm.s32 @!p1 $0x2  }
0x11: {  	s12 =	smov.u32 s10;
	_ =	swait.ge @!p1 [sflag:s14], $0x4000  }
0x12: {  	p0 =	por !p0, !p0;
	s11 =	smov.u32 s9;
	[sflag:s14] =	ssyncset.done @!p1 $0x0  }
0x13: {  	s9 =	smov.u32 s13;
	[sflag:s14] =	ssyncadd.s32 @!p1 $0xFFFFC000;
	s10 =	smov.u32 s15  }
.LBB1_1:
0x14: {  	p1 =	sgt.u32 s8, $0x3F  }
0x15: {  	s13 =	sxor.u32 @!p1 $0xFFFFFFFF, s8;
	s14 =	sshll.u32 @!p1 s10, $0xD  }
0x16: {  	s15 =	sshll.u32 @!p1 s9, $0xA;
	s13 =	sshll.u32 @!p1 s13, $0xE;
	s14 =	sadd.s32 @!p1 s2, s14  }
0x17: {  	s13 =	sand.u32 @!p1 $0x4000, s13;
	s14 =	sadd.s32 @!p1 s15, s14;
	s15 =	simm.s32 @!p1 $0x0  }
0x18: {  	[tilespmem:s13], [sflag:$0x1] =	stream.linear.gather @!p1 [hbm4b:s14+s15], $0x4000, $0x38;
	[tilespmem:$0x10000] =	vst v63  }
0x19: {  	p1 =	seq.s32 s8, $0x0  }
0x1a: {  	p2 =	seq.s32 @!p1 s8, $0x41  }
0x1b: {  	p1 =	por p1, p2  }
.Ltmp2:
0x1c: {  	_ = 	snop;
	(pc) =	sbr.rel @p1 .LBB1_7-.Ltmp2, $1  }
0x1d: {  	_ =	sdelay $0x3  }
0x1e: {  	s13 =	simm.s32 $0x1;
	_ =	swait.ge [sflag:s4], $0x4000  }
0x1f: {  	s14 =	sshll.u32 s8, $0xE;
	s16 =	simm.s32 $0x0;
	s13 =	simm.s32 @!p0 $0x0  }
0x20: {  	p2 =	por $0x1, $0x1;
	[sflag:s4] =	ssyncset.done $0x0;
	s13 =	sshll.u32 s13, $0x10  }
0x21: {  	s14 =	sand.u32 $0x4000, s14;
	[sflag:s4] =	ssyncadd.s32 $0xFFFFC000;
	s15 =	sshrl.u32 s13, $0x2  }
0x22: {  	s13 =	sor.u32 $0x8000, s14;
	s14 =	sadd.s32 $0x8040, s15;
	s15 =	sadd.s32 $0x40, s15  }
.LBB1_3:
0x23: {  	s17 =	sshll.u32 s16, $0xD  }
0x24: {  	s17 =	sand.u32 $0x3FFFE000, s17  }
0x25: {  	s17 =	sadd.s32 s17, s15  }
0x26: {  	v0 =	vmov s17;
	_ =	sdelay $0x4  }
0x27: {  	v6 =	vld.idx.msk [tilespmem:v0+s19+$0x30 ss:$0x1], $0xffff  }
0x28: {  	v7 =	vld.idx.msk [tilespmem:v0+s19+$0xFFFFFFC0 ss:$0x1], $0xffff  }
0x29: {  	v1 =	vld.idx.msk [tilespmem:v0+s19+$0xFFFFFFD0 ss:$0x1], $0xffff  }
0x2a: {  	s31 =	sshll.u32 s16, $0x7;
	v2 =	vld.idx.msk [tilespmem:v0+s19+$0xFFFFFFE0 ss:$0x1], $0xffff  }
0x2b: {  	s16 =	sand.u32 $0x3FFFFF80, s31;
	v3 =	vld.idx.msk [tilespmem:v0+s19+$0xFFFFFFF0 ss:$0x1], $0xffff  }
0x2c: {  	s16 =	sadd.s32 s16, s14;
	v4 =	vld.idx.msk [tilespmem:v0+s19+$0x0 ss:$0x1], $0xffff  }
0x2d: {  	v5 =	vld.idx.msk [tilespmem:v0+s19+$0x10 ss:$0x1], $0xffff;
	[tilespmem:s16+$0x30] =	vst v6  }
0x2e: {  	p1 =	por p2, p2;
	s18 =	simm.s32 $0x400;
	s17 =	simm.s32 $0x80;
	[tilespmem:s16+$0xFFFFFFC0] =	vst v7;
	v6 =	vld.idx.msk [tilespmem:v0+s19+$0x20 ss:$0x1], $0xffff  }
.LBB1_4:
0x2f: {  	p2 =	sne.s32 s18, $0x7E00;
	v7 =	vld.idx.msk [tilespmem:v0+s17+$0x30 ss:$0x1], $0xffff;
	[tilespmem:s16+$0xFFFFFFD0] =	vst v1  }
0x30: {  	v8 =	vld.idx.msk [tilespmem:v0+s17+$0xFFFFFFC0 ss:$0x1], $0xffff;
	[tilespmem:s16+$0xFFFFFFE0] =	vst v2  }
0x31: {  	v1 =	vld.idx.msk [tilespmem:v0+s17+$0xFFFFFFD0 ss:$0x1], $0xffff;
	[tilespmem:s16+$0xFFFFFFF0] =	vst v3  }
.Ltmp3:
0x32: {  	v2 =	vld.idx.msk [tilespmem:v0+s17+$0xFFFFFFE0 ss:$0x1], $0xffff;
	[tilespmem:s16+$0x0] =	vst v4;
	(pc) =	sbr.rel @p2 .LBB1_4-.Ltmp3, $4  }
0x33: {  	v3 =	vld.idx.msk [tilespmem:v0+s17+$0xFFFFFFF0 ss:$0x1], $0xffff;
	[tilespmem:s16+$0x10] =	vst v5  }
0x34: {  	v4 =	vld.idx.msk [tilespmem:v0+s17+$0x0 ss:$0x1], $0xffff;
	[tilespmem:s16+$0x20] =	vst v6;
	s16 =	sadd.s32 $0x100, s16  }
0x35: {  	v5 =	vld.idx.msk [tilespmem:v0+s17+$0x10 ss:$0x1], $0xffff;
	[tilespmem:s16+$0x30] =	vst v7  }
0x36: {  	[tilespmem:s16+$0xFFFFFFC0] =	vst v8;
	v6 =	vld.idx.msk [tilespmem:v0+s17+$0x20 ss:$0x1], $0xffff;
	s17 =	sshra.s32 s18, $0x2;
	s18 =	sadd.s32 $0x200, s18  }
0x37: {  	_ =	sdelay $0x2  }
0x38: {  	[tilespmem:s16+$0xFFFFFFD0] =	vst v1  }
0x39: {  	v56 =	vld.idx.msk [tilespmem:v0+s17+$0x30 ss:$0x1], $0xffff;
	[tilespmem:s16+$0xFFFFFFE0] =	vst v2  }
0x3a: {  	v57 =	vld.idx.msk [tilespmem:v0+s17+$0xFFFFFFC0 ss:$0x1], $0xffff;
	[tilespmem:s16+$0xFFFFFFF0] =	vst v3  }
0x3b: {  	v58 =	vld.idx.msk [tilespmem:v0+s17+$0xFFFFFFD0 ss:$0x1], $0xffff;
	[tilespmem:s16+$0x0] =	vst v4  }
0x3c: {  	v59 =	vld.idx.msk [tilespmem:v0+s17+$0xFFFFFFE0 ss:$0x1], $0xffff;
	[tilespmem:s16+$0x10] =	vst v5  }
0x3d: {  	v60 =	vld.idx.msk [tilespmem:v0+s17+$0xFFFFFFF0 ss:$0x1], $0xffff;
	s31 =	sadd.s32 $0x100, s16;
	[tilespmem:s16+$0x20] =	vst v6  }
0x3e: {  	v61 =	vld.idx.msk [tilespmem:v0+s17+$0x0 ss:$0x1], $0xffff;
	[tilespmem:s31+$0x30] =	vst v56  }
0x3f: {  	v62 =	vld.idx.msk [tilespmem:v0+s17+$0x10 ss:$0x1], $0xffff;
	[tilespmem:s31+$0xFFFFFFC0] =	vst v57  }
0x40: {  	v63 =	vld.idx.msk [tilespmem:v0+s17+$0x20 ss:$0x1], $0xffff;
	[tilespmem:s31+$0xFFFFFFD0] =	vst v58  }
.Ltmp4:
0x41: {  	[tilespmem:s31+$0xFFFFFFE0] =	vst v59;
	(pc) =	sbr.rel @p1 .LBB1_3-.Ltmp4, $4  }
0x42: {  	[tilespmem:s31+$0xFFFFFFF0] =	vst v60  }
0x43: {  	[tilespmem:s31+$0x0] =	vst v61  }
0x44: {  	[tilespmem:s31+$0x10] =	vst v62  }
0x45: {  	p2 =	por $0x0, $0x0;
	s16 =	simm.s32 $0x1;
	[tilespmem:s31+$0x20] =	vst v63  }
.Ltmp5:
0x46: {  	(pc) =	sbr.rel .LBB1_7-.Ltmp5, $4  }
0x47: {  	s12 =	sshll.u32 s12, $0xD;
	s11 =	sshll.u32 s11, $0x4  }
0x48: {  	s11 =	sand.u32 $0x70, s11;
	s12 =	sadd.s32 s3, s12  }
0x49: {  	s11 =	sadd.s32 s11, s12  }
0x4a: {  	[hbm4b:s11+s6] =	stream.strided.scatter [tilespmem:s13], [sflag:$0x2], $0x4000, s7, s6, $0x38;
	[tilespmem:$0x10000] =	vst v63  }
.LBB1_8:
0x4b: {  	_ =	sfence.sel $0x180000  }
0x4c: {  	s2 =	simm.s32 $0x1;
	[bflag:$0x0] =	sbarrier.arrive $0xFFFF  }
0x4d: {  	s31 =	simm.s32 $0x2;
	[sflag:s2] =	ssyncpa.u1 $0x1  }
0x4e: {  	[sflag:s31] =	ssyncpa.u1 $0x1  }
0x4f: {  	p0 =	sne.s32 s1, $0x0;
	_ =	strace $0x90000047  }
0x50: {  	s0 =	sadd.s32 @!p0 $0x100000, s0;
	[bflag:$0x2] =	sbarrier.arrive $0xFFFF  }
0x51: {  	[sflag:s0] =	ssyncadd.tile.s32 @!p0 $0x1;
	_ =	shalt  }
.Lfunc_end1:
_tile_overlayer_lowered:
.L_overlay_start_2:
0x52: {  	(tag) =	ssettag $0x2  }
0x53: {  	s0 =	rddreg [dreg:$0x0];
	s2 =	stileid.u32  }
0x54: {  	s1 =	rddreg [dreg:$0x1];
	p0 =	sne.s32 s2, $0x0  }
0x55: {  	s3 =	rddreg [dreg:$0x2];
	[bflag:$0x3] =	sbarrier.arrive $0xFFFF;
	s2 =	simm.s32 @!p0 $0x1C01  }
0x56: {  	[timem:s3], [sflag:s2] =	dma.local @!p0 [hbm:s0], s1  }
0x57: {  	s0 =	simm.s32 @!p0 $0x1  }
0x58: {  	_ =	swait.ge @!p0 [sflag:s0], s1  }
0x59: {  	s1 =	ssub.s32 @!p0 $0x0, s1;
	[sflag:s0] =	ssyncset.done @!p0 $0x0  }
0x5a: {  	[sflag:s0] =	ssyncadd.s32 @!p0 s1  }
0x5b: {  	[bflag:$0x3] =	sbarrier.arrive $0xFFFF  }
0x5c: {  	_ =	shalt  }

// kernel: sparse-core-data-format-call.cloned.1.call-start
scs
called_computation_lowered:
.L_overlay_start_0:
0x0: {  	s2 =	sld [smem:$0x3FD9]  }
0x1: {  	s3 =	sld [smem:$0x3FFE];
	_ =	sdelay $0x1  }
0x2: {  	s1 =	srdreg.scid  }
0x3: {  	s0 =	sand.u32 $0x1, s1  }
0x4: {  	s18 =	sshll.u32 s0, $0xA;
	s2 =	sadd.s32 s3, s2  }
0x5: {  	s2 =	sadd.s32 s2, s18  }
0x6: {  	[smem:$0x3FC5] =	sst s2  }
0x7: {  	_ = 	snop  }
0x8: {  	s2 =	sld [smem:$0x3FD0];
	(tm) =	ssettm $0x1  }
0x9: {  	s19 =	sld [smem:$0x3FFB];
	_ =	sdelay $0x3  }
0xa: {  	_ =	strace s19  }
0xb: {  	s3 =	sld [smem:$0x3FFC];
	_ =	sdelay $0x3  }
0xc: {  	_ =	strace s3  }
0xd: {  	s3 =	sld [smem:$0x3FFD];
	_ =	sdelay $0x3  }
0xe: {  	_ =	strace s3  }
0xf: {  	_ =	strace $0x8FFFFFFF  }
0x10: {  	s20 =	sld [smem:$0x3FDB];
	_ =	sdelay $0x1  }
0x11: {  	s4 =	simm.s32 $_scs_section_size  }
0x12: {  	s5 =	simm.s32 $_size__tile_overlayer_lowered;
	s6 =	simm.s32 $_tile_overlayer_lowered  }
0x13: {  	s23 =	simm.s32 $0x1BFF;
	s22 =	sshll.u32 s6, $0x1;
	s3 =	sadd.s32 s4, s20  }
0x14: {  	s7 =	simm.s32 $0x0;
	s21 =	sshll.u32 s5, $0x1;
	s5 =	sadd.s32 s22, s3  }
0x15: {  	[timem:s7], [sflag:s23] =	dma.local [hbm:s5], s21  }
0x16: {  	_ =	swait.ge [sflag:s23], s21  }
0x17: {  	s4 =	ssub.s32 $0x0, s21;
	[sflag:s23] =	ssyncset.done $0x0  }
0x18: {  	[sflag:s23] =	ssyncadd.s32 s4;
	_ =	sdelay $0x1  }
0x19: {  	s24 =	simm.s32 $0x1B8B  }
0x1a: {  	_ =	swait.ge [sflag:s24], $0x1  }
0x1b: {  	[sflag:s24] =	ssyncset.done $0x0  }
0x1c: {  	s26 =	simm.s32 $0x1B8E;
	s25 =	sld [smem:$0x3FFE];
	[sflag:s24] =	ssyncadd.s32 $0xFFFFFFFF  }
0x1d: {  	s27 =	simm.s32 $execute0_lowered;
	[smem:$0x3FD2] =	sst s26  }
0x1e: {  	s5 =	sshll.u32 s27, $0x1;
	_ =	strace $0x80000049;
	[dreg:$0x1] =	wrdreg $0xFFFFFFFF  }
0x1f: {  	s28 =	simm.s32 $_size_execute0_lowered;
	s3 =	sadd.s32 s3, s5;
	[dreg:$0x0] =	wrdreg $0x0  }
0x20: {  	s5 =	sshll.u32 s28, $0x1;
	[dreg:$0x2] =	wrdreg s3  }
0x21: {  	[dreg:$0x3] =	wrdreg s5  }
0x22: {  	[dreg:$0x4] =	wrdreg $0xC0  }
0x23: {  	_ =	task [dreg:s7], $0x5FFFF  }
0x24: {  	[dreg:$0x1] =	wrdreg $0xFFFFFFFF  }
0x25: {  	[dreg:$0x0] =	wrdreg $0x60  }
0x26: {  	[dreg:$0x2] =	wrdreg s25  }
0x27: {  	[dreg:$0x3] =	wrdreg s2  }
0x28: {  	[dreg:$0x4] =	wrdreg $0x9  }
0x29: {  	_ =	task.clear_ibuf [dreg:s7], $0x5FFFF;
	_ =	strace $0x90000049  }
0x2a: {  	s29 =	simm.s32 $0x9;
	_ =	strace $0x8000004B  }
0x2b: {  	_ =	swait.ge [sflag:s29], $0x1  }
0x2c: {  	[sflag:s29] =	ssyncadd.s32 $0xFFFFFFFF  }
0x2d: {  	_ =	strace $0x9000004B  }
0x2e: {  	_ =	sfence  }
0x2f: {  	s30 =	sld [smem:$0x0];
	_ =	sdelay $0x2  }
0x30: {  	s31 =	sshll.u32 s1, $0xD;
	s1 =	sshrl.u32 s1, $0x2  }
0x31: {  	s3 =	sand.u32 $0x4000, s31;
	s1 =	sadd.s32 s1, s30  }
0x32: {  	s0 =	sor.u32 s3, s0;
	s1 =	sshll.u32 s1, $0x11  }
0x33: {  	s0 =	sor.u32 s1, s0  }
0x34: {  	s0 =	sadd.s32 $0x8F2B, s0  }
0x35: {  	[sflag:s0] =	ssyncadd.remote.s32 $0x1  }
0x36: {  	_ =	sfence.sel $0xFFFF  }
0x37: {  	[dreg:$0x0] =	wrdreg $0xFFFFFFFF;
	(pc) =	sbr.abs _section_cstart, $3  }
0x38: {  	[dreg:$0x1] =	wrdreg $0xFFFFFFFF  }
0x39: {  	_ =	task.clear_ibuf [dreg:s7], $0x2FFFF;
	_ =	strace $0x9FFFFFFF  }
0x3a: {  	(tm) =	ssettm $0x7FFFFFFF  }
0x3b: {  	_ =	shalt  }
tec
execute0_lowered:
.L_overlay_start_1:
0x0: {  	(tag) =	ssettag $0x1  }
0x1: {  	s1 =	rddreg [dreg:$0x0]  }
0x2: {  	s2 =	rddreg [dreg:$0x1]  }
0x3: {  	s0 =	rddreg [dreg:$0x2];
	_ =	strace $0x8000004A;
	s4 =	srdreg.scid  }
0x4: {  	s6 =	simm.s32 $0x2;
	s11 =	simm.s32 $0x0;
	p0 =	por $0x0, $0x0  }
.Ltmp0:
0x5: {  	s7 =	simm.s32 $0x2000;
	s12 =	simm.s32 $0x0;
	(pc) =	sbr.rel .LBB1_1-.Ltmp0, $4  }
0x6: {  	s9 =	simm.s32 $0x0;
	s3 =	sadd.s32 $0xC00, s1;
	s5 =	sshll.u32 s4, $0x4  }
0x7: {  	s1 =	stileid.u32;
	s4 =	simm.s32 $0x1;
	s5 =	sand.u32 $0x10, s5  }
0x8: {  	s8 =	simm.s32 $0x0;
	[sflag:s4] =	ssyncpa.u1 $0x0;
	s5 =	sor.u32 s1, s5  }
0x9: {  	[sflag:s6] =	ssyncpa.u1 $0x0;
	s6 =	simm.s32 $0x800;
	s10 =	smov.u32 s5  }
.LBB1_7:
0xa: {  	s13 =	sadd.s32 $0x10, s9  }
0xb: {  	s11 =	sadd.s32 $0x20, s10;
	s15 =	smov.u32 s10;
	p2 =	sgt.s32 s13, $0x3F  }
0xc: {  	p1 =	slt.u32 s8, $0x2;
	s15 =	smov.u32 @p2 s11  }
0xd: {  	s8 =	sadd.s32 $0x1, s8;
	s13 =	simm.s32 @p2 $0x0;
	p2 =	sgt.s32 s15, $0x1FF  }
0xe: {  	s15 =	smov.u32 @p2 s5;
	p2 =	sne.s32 s8, $0x42  }
.Ltmp1:
0xf: {  	_ = 	snop;
	(pc) =	sbr.rel @!p2 .LBB1_8-.Ltmp1, $4  }
0x10: {  	s14 =	simm.s32 @!p1 $0x2  }
0x11: {  	s12 =	smov.u32 s10;
	_ =	swait.ge @!p1 [sflag:s14], $0x4000  }
0x12: {  	p0 =	por !p0, !p0;
	s11 =	smov.u32 s9;
	[sflag:s14] =	ssyncset.done @!p1 $0x0  }
0x13: {  	s9 =	smov.u32 s13;
	[sflag:s14] =	ssyncadd.s32 @!p1 $0xFFFFC000;
	s10 =	smov.u32 s15  }
.LBB1_1:
0x14: {  	p1 =	sgt.u32 s8, $0x3F  }
0x15: {  	s13 =	sxor.u32 @!p1 $0xFFFFFFFF, s8;
	s14 =	sshll.u32 @!p1 s10, $0xD  }
0x16: {  	s15 =	sshll.u32 @!p1 s9, $0x7;
	s13 =	sshll.u32 @!p1 s13, $0xE;
	s14 =	sadd.s32 @!p1 s3, s14  }
0x17: {  	s13 =	sand.u32 @!p1 $0x4000, s13;
	s14 =	sadd.s32 @!p1 s15, s14;
	s15 =	simm.s32 @!p1 $0x0  }
0x18: {  	[tilespmem:s13], [sflag:$0x1] =	stream.linear.gather @!p1 [hbm4b:s14+s15], $0x4000, $0x38;
	[tilespmem:$0x10000] =	vst v63  }
0x19: {  	p1 =	seq.s32 s8, $0x0  }
0x1a: {  	p2 =	seq.s32 @!p1 s8, $0x41  }
0x1b: {  	p1 =	por p1, p2  }
.Ltmp2:
0x1c: {  	_ = 	snop;
	(pc) =	sbr.rel @p1 .LBB1_7-.Ltmp2, $1  }
0x1d: {  	_ =	sdelay $0x3  }
0x1e: {  	s13 =	simm.s32 $0x1;
	_ =	swait.ge [sflag:s4], $0x4000;
	s16 =	sshll.u32 s8, $0xE  }
0x1f: {  	s13 =	simm.s32 @!p0 $0x0;
	[sflag:s4] =	ssyncset.done $0x0;
	s31 =	sand.u32 $0x4000, s16  }
0x20: {  	s16 =	simm.s32 $0x0;
	s14 =	sshll.u32 s13, $0xE;
	[sflag:s4] =	ssyncadd.s32 $0xFFFFC000  }
0x21: {  	s13 =	sor.u32 $0x8040, s14;
	s15 =	sor.u32 $0x40, s14;
	s14 =	sor.u32 $0x8000, s31  }
.LBB1_3:
0x22: {  	v0 =	vmov s15;
	_ =	sdelay $0x3  }
0x23: {  	s18 =	simm.s32 $0x0  }
0x24: {  	v6 =	vld.idx.msk [tilespmem:v0+s18+$0x30 ss:$0x1], $0xffff  }
0x25: {  	v7 =	vld.idx.msk [tilespmem:v0+s18+$0xFFFFFFC0 ss:$0x1], $0xffff  }
0x26: {  	v5 =	vld.idx.msk [tilespmem:v0+s18+$0xFFFFFFD0 ss:$0x1], $0xffff  }
0x27: {  	v4 =	vld.idx.msk [tilespmem:v0+s18+$0xFFFFFFE0 ss:$0x1], $0xffff  }
0x28: {  	v3 =	vld.idx.msk [tilespmem:v0+s18+$0xFFFFFFF0 ss:$0x1], $0xffff  }
0x29: {  	v1 =	vld.idx.msk [tilespmem:v0+s18+$0x0 ss:$0x1], $0xffff  }
0x2a: {  	v2 =	vld.idx.msk [tilespmem:v0+s18+$0x10 ss:$0x1], $0xffff;
	[tilespmem:s13+$0x30] =	vst v6  }
0x2b: {  	s17 =	simm.s32 $0x80;
	s19 =	simm.s32 $0x400;
	[tilespmem:s13+$0xFFFFFFC0] =	vst v7;
	v6 =	vld.idx.msk [tilespmem:v0+s18+$0x20 ss:$0x1], $0xffff;
	s18 =	smov.u32 s13  }
.LBB1_4:
0x2c: {  	p1 =	sne.s32 s19, $0xE00;
	v7 =	vld.idx.msk [tilespmem:v0+s17+$0x30 ss:$0x1], $0xffff;
	[tilespmem:s18+$0xFFFFFFD0] =	vst v5  }
0x2d: {  	v8 =	vld.idx.msk [tilespmem:v0+s17+$0xFFFFFFC0 ss:$0x1], $0xffff;
	[tilespmem:s18+$0xFFFFFFE0] =	vst v4  }
0x2e: {  	v5 =	vld.idx.msk [tilespmem:v0+s17+$0xFFFFFFD0 ss:$0x1], $0xffff;
	[tilespmem:s18+$0xFFFFFFF0] =	vst v3  }
.Ltmp3:
0x2f: {  	v4 =	vld.idx.msk [tilespmem:v0+s17+$0xFFFFFFE0 ss:$0x1], $0xffff;
	[tilespmem:s18+$0x0] =	vst v1;
	(pc) =	sbr.rel @p1 .LBB1_4-.Ltmp3, $4  }
0x30: {  	v3 =	vld.idx.msk [tilespmem:v0+s17+$0xFFFFFFF0 ss:$0x1], $0xffff;
	[tilespmem:s18+$0x10] =	vst v2  }
0x31: {  	v1 =	vld.idx.msk [tilespmem:v0+s17+$0x0 ss:$0x1], $0xffff;
	[tilespmem:s18+$0x20] =	vst v6;
	s18 =	sadd.s32 $0x800, s18  }
0x32: {  	v2 =	vld.idx.msk [tilespmem:v0+s17+$0x10 ss:$0x1], $0xffff;
	[tilespmem:s18+$0x30] =	vst v7  }
0x33: {  	[tilespmem:s18+$0xFFFFFFC0] =	vst v8;
	v6 =	vld.idx.msk [tilespmem:v0+s17+$0x20 ss:$0x1], $0xffff;
	s17 =	sshra.s32 s19, $0x2;
	s19 =	sadd.s32 $0x200, s19  }
0x34: {  	_ =	sdelay $0x2  }
0x35: {  	[tilespmem:s18+$0xFFFFFFD0] =	vst v5  }
0x36: {  	v56 =	vld.idx.msk [tilespmem:v0+s17+$0x30 ss:$0x1], $0xffff;
	[tilespmem:s18+$0xFFFFFFE0] =	vst v4  }
0x37: {  	v57 =	vld.idx.msk [tilespmem:v0+s17+$0xFFFFFFC0 ss:$0x1], $0xffff;
	[tilespmem:s18+$0xFFFFFFF0] =	vst v3  }
0x38: {  	v58 =	vld.idx.msk [tilespmem:v0+s17+$0xFFFFFFD0 ss:$0x1], $0xffff;
	[tilespmem:s18+$0x0] =	vst v1  }
0x39: {  	v59 =	vld.idx.msk [tilespmem:v0+s17+$0xFFFFFFE0 ss:$0x1], $0xffff;
	[tilespmem:s18+$0x10] =	vst v2  }
0x3a: {  	v60 =	vld.idx.msk [tilespmem:v0+s17+$0xFFFFFFF0 ss:$0x1], $0xffff;
	s31 =	sadd.s32 $0x800, s18;
	[tilespmem:s18+$0x20] =	vst v6  }
0x3b: {  	v61 =	vld.idx.msk [tilespmem:v0+s17+$0x0 ss:$0x1], $0xffff;
	[tilespmem:s31+$0x30] =	vst v56  }
0x3c: {  	v62 =	vld.idx.msk [tilespmem:v0+s17+$0x10 ss:$0x1], $0xffff;
	s16 =	sadd.s32 $0x1, s16;
	[tilespmem:s31+$0xFFFFFFC0] =	vst v57  }
0x3d: {  	v63 =	vld.idx.msk [tilespmem:v0+s17+$0x20 ss:$0x1], $0xffff;
	p1 =	sne.s32 s16, $0x10;
	[tilespmem:s31+$0xFFFFFFD0] =	vst v58  }
.Ltmp4:
0x3e: {  	[tilespmem:s31+$0xFFFFFFE0] =	vst v59;
	(pc) =	sbr.rel @p1 .LBB1_3-.Ltmp4, $4  }
0x3f: {  	[tilespmem:s31+$0xFFFFFFF0] =	vst v60  }
0x40: {  	[tilespmem:s31+$0x0] =	vst v61  }
0x41: {  	[tilespmem:s31+$0x10] =	vst v62  }
0x42: {  	s13 =	sadd.s32 $0x80, s13;
	s15 =	sadd.s32 $0x400, s15;
	[tilespmem:s31+$0x20] =	vst v63  }
.Ltmp5:
0x43: {  	(pc) =	sbr.rel .LBB1_7-.Ltmp5, $4  }
0x44: {  	s12 =	sshll.u32 s12, $0xD;
	s11 =	sshll.u32 s11, $0x4  }
0x45: {  	s11 =	sand.u32 $0x3F0, s11;
	s12 =	sadd.s32 s2, s12  }
0x46: {  	s11 =	sadd.s32 s11, s12  }
0x47: {  	[hbm4b:s11+s6] =	stream.strided.scatter [tilespmem:s14], [sflag:$0x2], $0x4000, s7, s6, $0x38;
	[tilespmem:$0x10000] =	vst v63  }
.LBB1_8:
0x48: {  	_ =	sfence.sel $0x180000  }
0x49: {  	s2 =	simm.s32 $0x1;
	[bflag:$0x0] =	sbarrier.arrive $0xFFFF  }
0x4a: {  	s31 =	simm.s32 $0x2;
	[sflag:s2] =	ssyncpa.u1 $0x1  }
0x4b: {  	[sflag:s31] =	ssyncpa.u1 $0x1  }
0x4c: {  	p0 =	sne.s32 s1, $0x0;
	_ =	strace $0x9000004A  }
0x4d: {  	s0 =	sadd.s32 @!p0 $0x100000, s0;
	[bflag:$0x2] =	sbarrier.arrive $0xFFFF  }
0x4e: {  	[sflag:s0] =	ssyncadd.tile.s32 @!p0 $0x1;
	_ =	shalt  }
.Lfunc_end1:
_tile_overlayer_lowered:
.L_overlay_start_2:
0x4f: {  	(tag) =	ssettag $0x2  }
0x50: {  	s0 =	rddreg [dreg:$0x0];
	s2 =	stileid.u32  }
0x51: {  	s1 =	rddreg [dreg:$0x1];
	p0 =	sne.s32 s2, $0x0  }
0x52: {  	s3 =	rddreg [dreg:$0x2];
	[bflag:$0x3] =	sbarrier.arrive $0xFFFF;
	s2 =	simm.s32 @!p0 $0x1C01  }
0x53: {  	[timem:s3], [sflag:s2] =	dma.local @!p0 [hbm:s0], s1  }
0x54: {  	s0 =	simm.s32 @!p0 $0x1  }
0x55: {  	_ =	swait.ge @!p0 [sflag:s0], s1  }
0x56: {  	s1 =	ssub.s32 @!p0 $0x0, s1;
	[sflag:s0] =	ssyncset.done @!p0 $0x0  }
0x57: {  	[sflag:s0] =	ssyncadd.s32 @!p0 s1  }
0x58: {  	[bflag:$0x3] =	sbarrier.arrive $0xFFFF  }
0x59: {  	_ =	shalt  }

</sc_bundles>
